<compile_context>
chip_gen: v7x
topology: tpu7x:2x2x1
jax: 0.10.2.dev20260603
libtpu: 0.0.44.dev20260713+nightly
codegen_flags: <defaults>
</compile_context>

<pallas_src>
import functools

import jax
import jax.numpy as jnp
from jax import lax
from jax.experimental import pallas as pl
from jax.experimental.pallas import tpu as pltpu
from jax.experimental.pallas import tpu_sc as plsc

N = 10000
E = 160000
D = 256
H = 128
NSUB = 16
NCORE = 2
NW = NSUB * NCORE

CH = 128
EPT = E // NSUB
NCH = 80
EPAD = NCH * CH
DUMP = N
ACC_ROWS = N + 8
RPT = N // NSUB
OCP = 632
IB = 40

EPW = E // NW
EPW_PAD = EPW + 8
HR = 80

R = 400
G = N // R

_f32 = jnp.float32


def _deg_body(dst_hbm, out_hbm, dstb, hist):
    c = lax.axis_index("c")
    s = lax.axis_index("s")
    w = s * NCORE + c
    pltpu.sync_copy(dst_hbm.at[pl.ds(w * EPW_PAD, EPW_PAD)], dstb)
    zeros16 = jnp.zeros((16,), _f32)
    ones16 = jnp.ones((16,), _f32)

    def zbody(i, carry):
        for k in range(CH // 16):
            hist[i, pl.ds(k * 16, 16)] = zeros16
        return carry

    lax.fori_loop(0, HR, zbody, 0)

    def hbody(i, carry):
        idx = dstb[pl.ds(i * 16, 16)]
        plsc.addupdate_scatter(
            hist,
            [lax.shift_right_logical(idx, 7), jnp.bitwise_and(idx, 127)],
            ones16,
        )
        return carry

    lax.fori_loop(0, EPW_PAD // 16, hbody, 0)
    pltpu.sync_copy(hist, out_hbm.at[w])


@functools.cache
def _sc_calls():
    mesh = plsc.VectorSubcoreMesh(
        core_axis_name="c", subcore_axis_name="s",
        num_cores=NCORE, num_subcores=NSUB,
    )
    deg_call = pl.kernel(
        _deg_body,
        out_type=jax.ShapeDtypeStruct((NW, HR, CH), _f32),
        mesh=mesh,
        scratch_types=[
            pltpu.VMEM((EPW_PAD,), jnp.int32),
            pltpu.VMEM((HR, CH), _f32),
        ],
        compiler_params=pltpu.CompilerParams(needs_layout_passes=False),
    )
    scat_call = pl.kernel(
        _scat_body,
        out_type=jax.ShapeDtypeStruct((NCORE, N, H), _f32),
        mesh=mesh,
        scratch_types=[
            pltpu.VMEM((IB, CH), jnp.int32),
            pltpu.VMEM((IB, CH), jnp.int32),
            pltpu.VMEM((CH, H), _f32),
            pltpu.VMEM((CH, H), _f32),
            pltpu.VMEM_SHARED((ACC_ROWS, H), _f32),
            pltpu.SemaphoreType.DMA,
            pltpu.SemaphoreType.DMA,
        ],
    )
    return deg_call, scat_call


def _scat_body(src_hbm, dst_hbm, g_hbm, out_hbm, src_v, dst_v, gb, gb2, acc,
               sem, sem2):
    c = lax.axis_index("c")
    s = lax.axis_index("s")

    zeros16 = jnp.zeros((16,), _f32)

    def zbody(i, carry):
        for k in range(H // 16):
            gb[i, pl.ds(k * 16, 16)] = zeros16
        return carry

    lax.fori_loop(0, CH, zbody, 0)

    base = s * RPT
    for r in range(RPT // 125):
        pltpu.sync_copy(gb.at[pl.ds(0, 125)], acc.at[pl.ds(base + r * 125, 125)])
    plsc.subcore_barrier()

    def gath(j, buf, sm):
        pltpu.async_copy(g_hbm.at[src_v.at[j]], buf, sm)

    def gwait(j, buf, sm):
        pltpu.make_async_copy(g_hbm.at[src_v.at[j]], buf, sm).wait()

    def outer(b, carry):
        pltpu.sync_copy(src_hbm.at[c, s, pl.ds(b * IB, IB)], src_v)
        pltpu.sync_copy(dst_hbm.at[s, pl.ds(b * IB, IB)], dst_v)
        gath(0, gb, sem)

        def body(jj, carry2):
            j0 = 2 * jj
            gwait(j0, gb, sem)
            gath(j0 + 1, gb2, sem2)
            pltpu.sync_copy(gb, acc.at[dst_v.at[j0]], add=True)
            gwait(j0 + 1, gb2, sem2)

            @pl.when(jj < IB // 2 - 1)
            def _next():
                gath(j0 + 2, gb, sem)

            pltpu.sync_copy(gb2, acc.at[dst_v.at[j0 + 1]], add=True)
            return carry2

        lax.fori_loop(0, IB // 2, body, 0)
        return carry

    lax.fori_loop(0, NCH // IB, outer, 0)
    plsc.subcore_barrier()
    ostart = pl.multiple_of((s * RPT) // 8 * 8, 8)
    pltpu.sync_copy(acc.at[pl.ds(ostart, OCP)], out_hbm.at[c, pl.ds(ostart, OCP)])


def _dinv_col(deg_ref):
    deg = jnp.sum(deg_ref[0], axis=0) + 1.0
    return jnp.transpose(lax.rsqrt(deg)[None, :])


def _dot(a, b):
    return jax.lax.dot_general(
        a, b, (((1,), (0,)), ((), ())),
        preferred_element_type=_f32,
    )


def _tc1_body(deg_ref, x_ref, w1_ref, g_ref):
    col = _dinv_col(deg_ref)
    g = _dot(x_ref[...], w1_ref[...]) * col
    g_ref[0] = g[:, :H]
    g_ref[1] = g[:, H:]


def _tc2_body(deg_ref, s_ref, g_ref, b1_ref, w2_ref, o_ref):
    col = _dinv_col(deg_ref)
    u = jnp.concatenate([s_ref[0] + g_ref[0], s_ref[1] + g_ref[1]], axis=1)
    a = jnp.maximum(u * col + b1_ref[...], 0.0)
    g2 = _dot(a, w2_ref[...]) * col
    o_ref[0] = g2[:, :H]
    o_ref[1] = g2[:, H:]


def _tc3_body(deg_ref, s_ref, g_ref, b2_ref, wl_ref, bl_ref, o_ref, acc_ref):
    i = pl.program_id(0)
    col = _dinv_col(deg_ref)
    u = jnp.concatenate([s_ref[0] + g_ref[0], s_ref[1] + g_ref[1]], axis=1)
    a = jnp.maximum(u * col + b2_ref[...], 0.0)
    p = jnp.sum(a, axis=0, keepdims=True)

    @pl.when(i == 0)
    def _init():
        acc_ref[...] = jnp.zeros_like(acc_ref)

    acc_ref[0:1, :] = acc_ref[0:1, :] + p

    @pl.when(i == G - 1)
    def _fin():
        m = acc_ref[0:1, :] * (1.0 / N)
        o_ref[...] = _dot(m, wl_ref[...]) + bl_ref[...]


def _deg_spec():
    return pl.BlockSpec((1, NW, R), lambda i: (i, 0, 0))


def _split_spec():
    return pl.BlockSpec((NCORE, R, H), lambda i: (0, i, 0))


def _full(shape):
    return pl.BlockSpec(shape, lambda i: tuple(0 for _ in shape))


_tc1_call = pl.pallas_call(
    _tc1_body,
    grid=(G,),
    in_specs=[_deg_spec(), pl.BlockSpec((R, D), lambda i: (i, 0)), _full((D, D))],
    out_specs=_split_spec(),
    out_shape=jax.ShapeDtypeStruct((NCORE, N, H), _f32),
)

_tc2_call = pl.pallas_call(
    _tc2_body,
    grid=(G,),
    in_specs=[_deg_spec(), _split_spec(), _split_spec(), _full((1, D)), _full((D, D))],
    out_specs=_split_spec(),
    out_shape=jax.ShapeDtypeStruct((NCORE, N, H), _f32),
)

_tc3_call = pl.pallas_call(
    _tc3_body,
    grid=(G,),
    in_specs=[_deg_spec(), _split_spec(), _split_spec(), _full((1, D)),
              _full((D, D // 2)), _full((1, D // 2))],
    out_specs=_full((1, D // 2)),
    out_shape=jax.ShapeDtypeStruct((1, D // 2), _f32),
    scratch_shapes=[pltpu.VMEM((8, D), _f32)],
)


def kernel(x, edge_index, W1, b1, W2, b2, Wlin, blin):
    ei = edge_index.astype(jnp.int32)
    src = ei[0].reshape(NSUB, EPT)
    dst = ei[1].reshape(NSUB, EPT)
    src16 = jnp.pad(src, ((0, 0), (0, EPAD - EPT))).reshape(NSUB, NCH, CH)
    src2 = jnp.stack([src16, src16 + N])
    dst16 = jnp.pad(dst, ((0, 0), (0, EPAD - EPT)),
                    constant_values=DUMP).reshape(NSUB, NCH, CH)
    dstw = jnp.pad(ei[1].reshape(NW, EPW), ((0, 0), (0, EPW_PAD - EPW)),
                   constant_values=DUMP).reshape(NW * EPW_PAD)

    deg_call, scat_call = _sc_calls()
    degp = deg_call(dstw)
    degt = (degp.reshape(NW, HR * CH)[:, :N]
            .reshape(NW, G, R).transpose(1, 0, 2))
    g1 = _tc1_call(degt, x, W1)
    s1 = scat_call(src2, dst16, g1.reshape(NCORE * N, H))
    g2 = _tc2_call(degt, s1, g1, b1.reshape(1, D), W2)
    s2 = scat_call(src2, dst16, g2.reshape(NCORE * N, H))
    out = _tc3_call(degt, s2, g2, b2.reshape(1, D), Wlin, blin.reshape(1, D // 2))
    return out

# --- scband reference (transcript-rebuilt; emitter-appended) ---
"""Pipeline reference for scband-gcn-33432025432670 (READ-ONLY COPY).

The authoritative reference and input builder live on the scoring server;
editing this copy changes nothing except your own understanding.
"""

import jax, jax.numpy as jnp
import numpy as np

N_NODES = 10000


def gcn_conv(x, edge_index, W, b):
    n = x.shape[0]
    src = edge_index[0]
    dst = edge_index[1]
    loop = jnp.arange(n, dtype=src.dtype)
    src = jnp.concatenate([src, loop])
    dst = jnp.concatenate([dst, loop])
    deg = jnp.zeros((n,), dtype=x.dtype).at[dst].add(1.0)
    dinv = jnp.where(deg > 0, 1.0 / jnp.sqrt(deg), 0.0)
    norm = dinv[src] * dinv[dst]
    h = x @ W
    msg = h[src] * norm[:, None]
    out = jnp.zeros((n, W.shape[1]), dtype=x.dtype).at[dst].add(msg)
    return out + b


def setup_inputs(seed: int = 0) -> dict:
    key = jax.random.key(seed)
    k1, k2, k3, k4, k5 = jax.random.split(key, 5)
    x = jax.random.normal(k1, (N_NODES, 256), dtype=jnp.float32)
    edge_index = jax.random.randint(k2, (2, 160000), 0, N_NODES, dtype=jnp.int64)
    W1 = jax.random.normal(k3, (256, 256), dtype=jnp.float32) * (1.0 / np.sqrt(256))
    b1 = jnp.zeros((256,), dtype=jnp.float32)
    W2 = jax.random.normal(k4, (256, 256), dtype=jnp.float32) * (1.0 / np.sqrt(256))
    b2 = jnp.zeros((256,), dtype=jnp.float32)
    Wlin = jax.random.normal(k5, (256, 128), dtype=jnp.float32) * (1.0 / np.sqrt(256))
    blin = jnp.zeros((128,), dtype=jnp.float32)
    return {"x": x, "edge_index": edge_index, "W1": W1, "b1": b1, "W2": W2, "b2": b2, "Wlin": Wlin, "blin": blin}


def reference(x, edge_index, W1, b1, W2, b2, Wlin, blin):
    h = gcn_conv(x, edge_index, W1, b1)
    h = jax.nn.relu(h)
    h = gcn_conv(h, edge_index, W2, b2)
    h = jax.nn.relu(h)
    h = jnp.mean(h, axis=0, keepdims=True)
    out = h @ Wlin + blin
    return out

if __name__ == "__main__":
    import jax
    _d = setup_inputs()
    print(jax.jit(kernel)(*tuple(_d.values())))

</pallas_src>

<mosaic_0001>
#map = affine_map<(d0, d1) -> (0, 0, 0, 0)>
#map1 = affine_map<(d0, d1) -> (0, 0, 0)>
#map2 = affine_map<(d0, d1) -> (0, 0)>
module attributes {stable_mosaic.version = 14 : i64} {
  func.func @_scat_body(%arg0: i32, %arg1: i32, %arg2: memref<2x16x80x128xi32, #tpu.memory_space<hbm>>, %arg3: memref<16x80x128xi32, #tpu.memory_space<hbm>>, %arg4: memref<20000x128xf32, #tpu.memory_space<hbm>>, %arg5: memref<2x10000x128xf32, #tpu.memory_space<hbm>>, %arg6: memref<40x128xi32, #tpu.memory_space<vmem>>, %arg7: memref<40x128xi32, #tpu.memory_space<vmem>>, %arg8: memref<128x128xf32, #tpu.memory_space<vmem>>, %arg9: memref<128x128xf32, #tpu.memory_space<vmem>>, %arg10: memref<10008x128xf32, #tpu.memory_space<vmem_shared>>, %arg11: memref<!tpu.dma_semaphore, #tpu.memory_space<semaphore_mem>>, %arg12: memref<!tpu.dma_semaphore, #tpu.memory_space<semaphore_mem>>) attributes {dimension_semantics = [#tpu.dimension_semantics<core_parallel>, #tpu.dimension_semantics<subcore_parallel>], iteration_bounds = array<i64: 2, 16>, scalar_prefetch = 0 : i64, scratch_operands = 7 : i64, tpu.core_type = #tpu.core_type<sc_vector_subcore>, window_params = [{transform_indices = #map}, {transform_indices = #map1}, {transform_indices = #map2}, {transform_indices = #map1}]} {
    %broadcast_in_dim3A = arith.constant 0.000000e+00 : f32
    %broadcast_in_dim3A_0 = vector.broadcast %broadcast_in_dim3A : f32 to vector<16xf32>
    %scan3A = arith.constant 0 : i32
    %scan3A_1 = arith.constant 0 : i32
    %scan3A_2 = arith.constant 128 : i32
    %scan3A_3 = arith.addi %scan3A_1, %scan3A_2 : i32
    %scan3A_4 = arith.constant 1 : i32
    scf.for %scan3A_43 = %scan3A_1 to %scan3A_3 step %scan3A_4  : i32 {
      %swap3A = arith.index_cast %scan3A_43 : i32 to index
      %swap3A_44 = arith.constant 0 : index
      %swap3A_45 = tpu.vector_load %arg8[%swap3A, %swap3A_44] {strides = array<i32>} : memref<128x128xf32, #tpu.memory_space<vmem>>, vector<1x16xf32>,
      %swap3A_46 = vector.shape_cast %swap3A_45 : vector<1x16xf32> to vector<16xf32>
      %swap3A_47 = vector.shape_cast %broadcast_in_dim3A_0 : vector<16xf32> to vector<1x16xf32>
      tpu.vector_store %arg8[%swap3A, %swap3A_44], %swap3A_47 {strides = array<i32>} : memref<128x128xf32, #tpu.memory_space<vmem>>, vector<1x16xf32>,
      %swap3A_48 = arith.index_cast %scan3A_43 : i32 to index
      %swap3A_49 = arith.constant 16 : index
      %swap3A_50 = tpu.vector_load %arg8[%swap3A_48, %swap3A_49] {strides = array<i32>} : memref<128x128xf32, #tpu.memory_space<vmem>>, vector<1x16xf32>,
      %swap3A_51 = vector.shape_cast %swap3A_50 : vector<1x16xf32> to vector<16xf32>
      %swap3A_52 = vector.shape_cast %broadcast_in_dim3A_0 : vector<16xf32> to vector<1x16xf32>
      tpu.vector_store %arg8[%swap3A_48, %swap3A_49], %swap3A_52 {strides = array<i32>} : memref<128x128xf32, #tpu.memory_space<vmem>>, vector<1x16xf32>,
      %swap3A_53 = arith.index_cast %scan3A_43 : i32 to index
      %swap3A_54 = arith.constant 32 : index
      %swap3A_55 = tpu.vector_load %arg8[%swap3A_53, %swap3A_54] {strides = array<i32>} : memref<128x128xf32, #tpu.memory_space<vmem>>, vector<1x16xf32>,
      %swap3A_56 = vector.shape_cast %swap3A_55 : vector<1x16xf32> to vector<16xf32>
      %swap3A_57 = vector.shape_cast %broadcast_in_dim3A_0 : vector<16xf32> to vector<1x16xf32>
      tpu.vector_store %arg8[%swap3A_53, %swap3A_54], %swap3A_57 {strides = array<i32>} : memref<128x128xf32, #tpu.memory_space<vmem>>, vector<1x16xf32>,
      %swap3A_58 = arith.index_cast %scan3A_43 : i32 to index
      %swap3A_59 = arith.constant 48 : index
      %swap3A_60 = tpu.vector_load %arg8[%swap3A_58, %swap3A_59] {strides = array<i32>} : memref<128x128xf32, #tpu.memory_space<vmem>>, vector<1x16xf32>,
      %swap3A_61 = vector.shape_cast %swap3A_60 : vector<1x16xf32> to vector<16xf32>
      %swap3A_62 = vector.shape_cast %broadcast_in_dim3A_0 : vector<16xf32> to vector<1x16xf32>
      tpu.vector_store %arg8[%swap3A_58, %swap3A_59], %swap3A_62 {strides = array<i32>} : memref<128x128xf32, #tpu.memory_space<vmem>>, vector<1x16xf32>,
      %swap3A_63 = arith.index_cast %scan3A_43 : i32 to index
      %swap3A_64 = arith.constant 64 : index
      %swap3A_65 = tpu.vector_load %arg8[%swap3A_63, %swap3A_64] {strides = array<i32>} : memref<128x128xf32, #tpu.memory_space<vmem>>, vector<1x16xf32>,
      %swap3A_66 = vector.shape_cast %swap3A_65 : vector<1x16xf32> to vector<16xf32>
      %swap3A_67 = vector.shape_cast %broadcast_in_dim3A_0 : vector<16xf32> to vector<1x16xf32>
      tpu.vector_store %arg8[%swap3A_63, %swap3A_64], %swap3A_67 {strides = array<i32>} : memref<128x128xf32, #tpu.memory_space<vmem>>, vector<1x16xf32>,
      %swap3A_68 = arith.index_cast %scan3A_43 : i32 to index
      %swap3A_69 = arith.constant 80 : index
      %swap3A_70 = tpu.vector_load %arg8[%swap3A_68, %swap3A_69] {strides = array<i32>} : memref<128x128xf32, #tpu.memory_space<vmem>>, vector<1x16xf32>,
      %swap3A_71 = vector.shape_cast %swap3A_70 : vector<1x16xf32> to vector<16xf32>
      %swap3A_72 = vector.shape_cast %broadcast_in_dim3A_0 : vector<16xf32> to vector<1x16xf32>
      tpu.vector_store %arg8[%swap3A_68, %swap3A_69], %swap3A_72 {strides = array<i32>} : memref<128x128xf32, #tpu.memory_space<vmem>>, vector<1x16xf32>,
      %swap3A_73 = arith.index_cast %scan3A_43 : i32 to index
      %swap3A_74 = arith.constant 96 : index
      %swap3A_75 = tpu.vector_load %arg8[%swap3A_73, %swap3A_74] {strides = array<i32>} : memref<128x128xf32, #tpu.memory_space<vmem>>, vector<1x16xf32>,
      %swap3A_76 = vector.shape_cast %swap3A_75 : vector<1x16xf32> to vector<16xf32>
      %swap3A_77 = vector.shape_cast %broadcast_in_dim3A_0 : vector<16xf32> to vector<1x16xf32>
      tpu.vector_store %arg8[%swap3A_73, %swap3A_74], %swap3A_77 {strides = array<i32>} : memref<128x128xf32, #tpu.memory_space<vmem>>, vector<1x16xf32>,
      %swap3A_78 = arith.index_cast %scan3A_43 : i32 to index
      %swap3A_79 = arith.constant 112 : index
      %swap3A_80 = tpu.vector_load %arg8[%swap3A_78, %swap3A_79] {strides = array<i32>} : memref<128x128xf32, #tpu.memory_space<vmem>>, vector<1x16xf32>,
      %swap3A_81 = vector.shape_cast %swap3A_80 : vector<1x16xf32> to vector<16xf32>
      %swap3A_82 = vector.shape_cast %broadcast_in_dim3A_0 : vector<16xf32> to vector<1x16xf32>
      tpu.vector_store %arg8[%swap3A_78, %swap3A_79], %swap3A_82 {strides = array<i32>} : memref<128x128xf32, #tpu.memory_space<vmem>>, vector<1x16xf32>,
    }
    %scan3A_5 = arith.constant 128 : i32
    %mul3A = arith.constant 625 : i32
    %mul3A_6 = arith.muli %arg1, %mul3A : i32
    %add3A = arith.constant 0 : i32
    %add3A_7 = arith.addi %mul3A_6, %add3A : i32
    "tpu.region"() ({
      %run_scoped3A = tpu.sem_alloc : memref<!tpu.dma_semaphore, #tpu.memory_space<semaphore_mem>>
      %dma_start3A = arith.constant 0 : i32
      %dma_start3A_43 = arith.constant 0 : i32
      %dma_start3A_44 = tpu.memref_slice %arg8[%dma_start3A, %dma_start3A_43] : memref<128x128xf32, #tpu.memory_space<vmem>> -> memref<125x128xf32, #tpu.memory_space<vmem>>
      %dma_start3A_45 = arith.constant 0 : i32
      %dma_start3A_46 = tpu.memref_slice %arg10[%add3A_7, %dma_start3A_45] : memref<10008x128xf32, #tpu.memory_space<vmem_shared>> -> memref<125x128xf32, #tpu.memory_space<vmem_shared>>
      %dma_start3A_47 = arith.constant 0 : i32
      %dma_start3A_48 = tpu.memref_slice %arg10[%add3A_7, %dma_start3A_47] : memref<10008x128xf32, #tpu.memory_space<vmem_shared>> -> memref<125x128xf32, #tpu.memory_space<vmem_shared>>
      %dma_start3A_49 = arith.constant 0 : i32
      %dma_start3A_50 = arith.constant 0 : i32
      %dma_start3A_51 = tpu.memref_slice %arg8[%dma_start3A_49, %dma_start3A_50] : memref<128x128xf32, #tpu.memory_space<vmem>> -> memref<125x128xf32, #tpu.memory_space<vmem>>
      tpu.enqueue_dma source(%dma_start3A_51 : memref<125x128xf32, #tpu.memory_space<vmem>>) target(%dma_start3A_48 : memref<125x128xf32, #tpu.memory_space<vmem_shared>>) target_semaphore(%run_scoped3A : memref<!tpu.dma_semaphore, #tpu.memory_space<semaphore_mem>>)
      %dma_wait3A = arith.constant 0 : i32
      %dma_wait3A_52 = arith.constant 0 : i32
      %dma_wait3A_53 = tpu.memref_slice %arg8[%dma_wait3A, %dma_wait3A_52] : memref<128x128xf32, #tpu.memory_space<vmem>> -> memref<125x128xf32, #tpu.memory_space<vmem>>
      %dma_wait3A_54 = arith.constant 0 : i32
      %dma_wait3A_55 = tpu.memref_slice %arg10[%add3A_7, %dma_wait3A_54] : memref<10008x128xf32, #tpu.memory_space<vmem_shared>> -> memref<125x128xf32, #tpu.memory_space<vmem_shared>>
      %dma_wait3A_56 = arith.constant 0 : i32
      %dma_wait3A_57 = tpu.memref_slice %arg10[%add3A_7, %dma_wait3A_56] : memref<10008x128xf32, #tpu.memory_space<vmem_shared>> -> memref<125x128xf32, #tpu.memory_space<vmem_shared>>
      %dma_wait3A_58 = arith.constant 0 : i32
      %dma_wait3A_59 = arith.constant 0 : i32
      %dma_wait3A_60 = tpu.memref_slice %arg8[%dma_wait3A_58, %dma_wait3A_59] : memref<128x128xf32, #tpu.memory_space<vmem>> -> memref<125x128xf32, #tpu.memory_space<vmem>>
      tpu.wait_dma2 semaphore(%run_scoped3A : memref<!tpu.dma_semaphore, #tpu.memory_space<semaphore_mem>>) src(%dma_wait3A_60 : memref<125x128xf32, #tpu.memory_space<vmem>>) dst(%dma_wait3A_57 : memref<125x128xf32, #tpu.memory_space<vmem_shared>>)
      tpu.yield
    }) : () -> ()
    %add3A_8 = arith.constant 125 : i32
    %add3A_9 = arith.addi %mul3A_6, %add3A_8 : i32
    "tpu.region"() ({
      %run_scoped3A = tpu.sem_alloc : memref<!tpu.dma_semaphore, #tpu.memory_space<semaphore_mem>>
      %dma_start3A = arith.constant 0 : i32
      %dma_start3A_43 = arith.constant 0 : i32
      %dma_start3A_44 = tpu.memref_slice %arg8[%dma_start3A, %dma_start3A_43] : memref<128x128xf32, #tpu.memory_space<vmem>> -> memref<125x128xf32, #tpu.memory_space<vmem>>
      %dma_start3A_45 = arith.constant 0 : i32
      %dma_start3A_46 = tpu.memref_slice %arg10[%add3A_9, %dma_start3A_45] : memref<10008x128xf32, #tpu.memory_space<vmem_shared>> -> memref<125x128xf32, #tpu.memory_space<vmem_shared>>
      %dma_start3A_47 = arith.constant 0 : i32
      %dma_start3A_48 = tpu.memref_slice %arg10[%add3A_9, %dma_start3A_47] : memref<10008x128xf32, #tpu.memory_space<vmem_shared>> -> memref<125x128xf32, #tpu.memory_space<vmem_shared>>
      %dma_start3A_49 = arith.constant 0 : i32
      %dma_start3A_50 = arith.constant 0 : i32
      %dma_start3A_51 = tpu.memref_slice %arg8[%dma_start3A_49, %dma_start3A_50] : memref<128x128xf32, #tpu.memory_space<vmem>> -> memref<125x128xf32, #tpu.memory_space<vmem>>
      tpu.enqueue_dma source(%dma_start3A_51 : memref<125x128xf32, #tpu.memory_space<vmem>>) target(%dma_start3A_48 : memref<125x128xf32, #tpu.memory_space<vmem_shared>>) target_semaphore(%run_scoped3A : memref<!tpu.dma_semaphore, #tpu.memory_space<semaphore_mem>>)
      %dma_wait3A = arith.constant 0 : i32
      %dma_wait3A_52 = arith.constant 0 : i32
      %dma_wait3A_53 = tpu.memref_slice %arg8[%dma_wait3A, %dma_wait3A_52] : memref<128x128xf32, #tpu.memory_space<vmem>> -> memref<125x128xf32, #tpu.memory_space<vmem>>
      %dma_wait3A_54 = arith.constant 0 : i32
      %dma_wait3A_55 = tpu.memref_slice %arg10[%add3A_9, %dma_wait3A_54] : memref<10008x128xf32, #tpu.memory_space<vmem_shared>> -> memref<125x128xf32, #tpu.memory_space<vmem_shared>>
      %dma_wait3A_56 = arith.constant 0 : i32
      %dma_wait3A_57 = tpu.memref_slice %arg10[%add3A_9, %dma_wait3A_56] : memref<10008x128xf32, #tpu.memory_space<vmem_shared>> -> memref<125x128xf32, #tpu.memory_space<vmem_shared>>
      %dma_wait3A_58 = arith.constant 0 : i32
      %dma_wait3A_59 = arith.constant 0 : i32
      %dma_wait3A_60 = tpu.memref_slice %arg8[%dma_wait3A_58, %dma_wait3A_59] : memref<128x128xf32, #tpu.memory_space<vmem>> -> memref<125x128xf32, #tpu.memory_space<vmem>>
      tpu.wait_dma2 semaphore(%run_scoped3A : memref<!tpu.dma_semaphore, #tpu.memory_space<semaphore_mem>>) src(%dma_wait3A_60 : memref<125x128xf32, #tpu.memory_space<vmem>>) dst(%dma_wait3A_57 : memref<125x128xf32, #tpu.memory_space<vmem_shared>>)
      tpu.yield
    }) : () -> ()
    %add3A_10 = arith.constant 250 : i32
    %add3A_11 = arith.addi %mul3A_6, %add3A_10 : i32
    "tpu.region"() ({
      %run_scoped3A = tpu.sem_alloc : memref<!tpu.dma_semaphore, #tpu.memory_space<semaphore_mem>>
      %dma_start3A = arith.constant 0 : i32
      %dma_start3A_43 = arith.constant 0 : i32
      %dma_start3A_44 = tpu.memref_slice %arg8[%dma_start3A, %dma_start3A_43] : memref<128x128xf32, #tpu.memory_space<vmem>> -> memref<125x128xf32, #tpu.memory_space<vmem>>
      %dma_start3A_45 = arith.constant 0 : i32
      %dma_start3A_46 = tpu.memref_slice %arg10[%add3A_11, %dma_start3A_45] : memref<10008x128xf32, #tpu.memory_space<vmem_shared>> -> memref<125x128xf32, #tpu.memory_space<vmem_shared>>
      %dma_start3A_47 = arith.constant 0 : i32
      %dma_start3A_48 = tpu.memref_slice %arg10[%add3A_11, %dma_start3A_47] : memref<10008x128xf32, #tpu.memory_space<vmem_shared>> -> memref<125x128xf32, #tpu.memory_space<vmem_shared>>
      %dma_start3A_49 = arith.constant 0 : i32
      %dma_start3A_50 = arith.constant 0 : i32
      %dma_start3A_51 = tpu.memref_slice %arg8[%dma_start3A_49, %dma_start3A_50] : memref<128x128xf32, #tpu.memory_space<vmem>> -> memref<125x128xf32, #tpu.memory_space<vmem>>
      tpu.enqueue_dma source(%dma_start3A_51 : memref<125x128xf32, #tpu.memory_space<vmem>>) target(%dma_start3A_48 : memref<125x128xf32, #tpu.memory_space<vmem_shared>>) target_semaphore(%run_scoped3A : memref<!tpu.dma_semaphore, #tpu.memory_space<semaphore_mem>>)
      %dma_wait3A = arith.constant 0 : i32
      %dma_wait3A_52 = arith.constant 0 : i32
      %dma_wait3A_53 = tpu.memref_slice %arg8[%dma_wait3A, %dma_wait3A_52] : memref<128x128xf32, #tpu.memory_space<vmem>> -> memref<125x128xf32, #tpu.memory_space<vmem>>
      %dma_wait3A_54 = arith.constant 0 : i32
      %dma_wait3A_55 = tpu.memref_slice %arg10[%add3A_11, %dma_wait3A_54] : memref<10008x128xf32, #tpu.memory_space<vmem_shared>> -> memref<125x128xf32, #tpu.memory_space<vmem_shared>>
      %dma_wait3A_56 = arith.constant 0 : i32
      %dma_wait3A_57 = tpu.memref_slice %arg10[%add3A_11, %dma_wait3A_56] : memref<10008x128xf32, #tpu.memory_space<vmem_shared>> -> memref<125x128xf32, #tpu.memory_space<vmem_shared>>
      %dma_wait3A_58 = arith.constant 0 : i32
      %dma_wait3A_59 = arith.constant 0 : i32
      %dma_wait3A_60 = tpu.memref_slice %arg8[%dma_wait3A_58, %dma_wait3A_59] : memref<128x128xf32, #tpu.memory_space<vmem>> -> memref<125x128xf32, #tpu.memory_space<vmem>>
      tpu.wait_dma2 semaphore(%run_scoped3A : memref<!tpu.dma_semaphore, #tpu.memory_space<semaphore_mem>>) src(%dma_wait3A_60 : memref<125x128xf32, #tpu.memory_space<vmem>>) dst(%dma_wait3A_57 : memref<125x128xf32, #tpu.memory_space<vmem_shared>>)
      tpu.yield
    }) : () -> ()
    %add3A_12 = arith.constant 375 : i32
    %add3A_13 = arith.addi %mul3A_6, %add3A_12 : i32
    "tpu.region"() ({
      %run_scoped3A = tpu.sem_alloc : memref<!tpu.dma_semaphore, #tpu.memory_space<semaphore_mem>>
      %dma_start3A = arith.constant 0 : i32
      %dma_start3A_43 = arith.constant 0 : i32
      %dma_start3A_44 = tpu.memref_slice %arg8[%dma_start3A, %dma_start3A_43] : memref<128x128xf32, #tpu.memory_space<vmem>> -> memref<125x128xf32, #tpu.memory_space<vmem>>
      %dma_start3A_45 = arith.constant 0 : i32
      %dma_start3A_46 = tpu.memref_slice %arg10[%add3A_13, %dma_start3A_45] : memref<10008x128xf32, #tpu.memory_space<vmem_shared>> -> memref<125x128xf32, #tpu.memory_space<vmem_shared>>
      %dma_start3A_47 = arith.constant 0 : i32
      %dma_start3A_48 = tpu.memref_slice %arg10[%add3A_13, %dma_start3A_47] : memref<10008x128xf32, #tpu.memory_space<vmem_shared>> -> memref<125x128xf32, #tpu.memory_space<vmem_shared>>
      %dma_start3A_49 = arith.constant 0 : i32
      %dma_start3A_50 = arith.constant 0 : i32
      %dma_start3A_51 = tpu.memref_slice %arg8[%dma_start3A_49, %dma_start3A_50] : memref<128x128xf32, #tpu.memory_space<vmem>> -> memref<125x128xf32, #tpu.memory_space<vmem>>
      tpu.enqueue_dma source(%dma_start3A_51 : memref<125x128xf32, #tpu.memory_space<vmem>>) target(%dma_start3A_48 : memref<125x128xf32, #tpu.memory_space<vmem_shared>>) target_semaphore(%run_scoped3A : memref<!tpu.dma_semaphore, #tpu.memory_space<semaphore_mem>>)
      %dma_wait3A = arith.constant 0 : i32
      %dma_wait3A_52 = arith.constant 0 : i32
      %dma_wait3A_53 = tpu.memref_slice %arg8[%dma_wait3A, %dma_wait3A_52] : memref<128x128xf32, #tpu.memory_space<vmem>> -> memref<125x128xf32, #tpu.memory_space<vmem>>
      %dma_wait3A_54 = arith.constant 0 : i32
      %dma_wait3A_55 = tpu.memref_slice %arg10[%add3A_13, %dma_wait3A_54] : memref<10008x128xf32, #tpu.memory_space<vmem_shared>> -> memref<125x128xf32, #tpu.memory_space<vmem_shared>>
      %dma_wait3A_56 = arith.constant 0 : i32
      %dma_wait3A_57 = tpu.memref_slice %arg10[%add3A_13, %dma_wait3A_56] : memref<10008x128xf32, #tpu.memory_space<vmem_shared>> -> memref<125x128xf32, #tpu.memory_space<vmem_shared>>
      %dma_wait3A_58 = arith.constant 0 : i32
      %dma_wait3A_59 = arith.constant 0 : i32
      %dma_wait3A_60 = tpu.memref_slice %arg8[%dma_wait3A_58, %dma_wait3A_59] : memref<128x128xf32, #tpu.memory_space<vmem>> -> memref<125x128xf32, #tpu.memory_space<vmem>>
      tpu.wait_dma2 semaphore(%run_scoped3A : memref<!tpu.dma_semaphore, #tpu.memory_space<semaphore_mem>>) src(%dma_wait3A_60 : memref<125x128xf32, #tpu.memory_space<vmem>>) dst(%dma_wait3A_57 : memref<125x128xf32, #tpu.memory_space<vmem_shared>>)
      tpu.yield
    }) : () -> ()
    %add3A_14 = arith.constant 500 : i32
    %add3A_15 = arith.addi %mul3A_6, %add3A_14 : i32
    "tpu.region"() ({
      %run_scoped3A = tpu.sem_alloc : memref<!tpu.dma_semaphore, #tpu.memory_space<semaphore_mem>>
      %dma_start3A = arith.constant 0 : i32
      %dma_start3A_43 = arith.constant 0 : i32
      %dma_start3A_44 = tpu.memref_slice %arg8[%dma_start3A, %dma_start3A_43] : memref<128x128xf32, #tpu.memory_space<vmem>> -> memref<125x128xf32, #tpu.memory_space<vmem>>
      %dma_start3A_45 = arith.constant 0 : i32
      %dma_start3A_46 = tpu.memref_slice %arg10[%add3A_15, %dma_start3A_45] : memref<10008x128xf32, #tpu.memory_space<vmem_shared>> -> memref<125x128xf32, #tpu.memory_space<vmem_shared>>
      %dma_start3A_47 = arith.constant 0 : i32
      %dma_start3A_48 = tpu.memref_slice %arg10[%add3A_15, %dma_start3A_47] : memref<10008x128xf32, #tpu.memory_space<vmem_shared>> -> memref<125x128xf32, #tpu.memory_space<vmem_shared>>
      %dma_start3A_49 = arith.constant 0 : i32
      %dma_start3A_50 = arith.constant 0 : i32
      %dma_start3A_51 = tpu.memref_slice %arg8[%dma_start3A_49, %dma_start3A_50] : memref<128x128xf32, #tpu.memory_space<vmem>> -> memref<125x128xf32, #tpu.memory_space<vmem>>
      tpu.enqueue_dma source(%dma_start3A_51 : memref<125x128xf32, #tpu.memory_space<vmem>>) target(%dma_start3A_48 : memref<125x128xf32, #tpu.memory_space<vmem_shared>>) target_semaphore(%run_scoped3A : memref<!tpu.dma_semaphore, #tpu.memory_space<semaphore_mem>>)
      %dma_wait3A = arith.constant 0 : i32
      %dma_wait3A_52 = arith.constant 0 : i32
      %dma_wait3A_53 = tpu.memref_slice %arg8[%dma_wait3A, %dma_wait3A_52] : memref<128x128xf32, #tpu.memory_space<vmem>> -> memref<125x128xf32, #tpu.memory_space<vmem>>
      %dma_wait3A_54 = arith.constant 0 : i32
      %dma_wait3A_55 = tpu.memref_slice %arg10[%add3A_15, %dma_wait3A_54] : memref<10008x128xf32, #tpu.memory_space<vmem_shared>> -> memref<125x128xf32, #tpu.memory_space<vmem_shared>>
      %dma_wait3A_56 = arith.constant 0 : i32
      %dma_wait3A_57 = tpu.memref_slice %arg10[%add3A_15, %dma_wait3A_56] : memref<10008x128xf32, #tpu.memory_space<vmem_shared>> -> memref<125x128xf32, #tpu.memory_space<vmem_shared>>
      %dma_wait3A_58 = arith.constant 0 : i32
      %dma_wait3A_59 = arith.constant 0 : i32
      %dma_wait3A_60 = tpu.memref_slice %arg8[%dma_wait3A_58, %dma_wait3A_59] : memref<128x128xf32, #tpu.memory_space<vmem>> -> memref<125x128xf32, #tpu.memory_space<vmem>>
      tpu.wait_dma2 semaphore(%run_scoped3A : memref<!tpu.dma_semaphore, #tpu.memory_space<semaphore_mem>>) src(%dma_wait3A_60 : memref<125x128xf32, #tpu.memory_space<vmem>>) dst(%dma_wait3A_57 : memref<125x128xf32, #tpu.memory_space<vmem_shared>>)
      tpu.yield
    }) : () -> ()
    %barrier3A = arith.constant 0 : index
    tpu.barrier barrier_id(%barrier3A)
    %scan3A_16 = arith.constant 0 : i32
    %scan3A_17 = arith.constant 0 : i32
    %scan3A_18 = arith.constant 2 : i32
    %scan3A_19 = arith.addi %scan3A_17, %scan3A_18 : i32
    %scan3A_20 = arith.constant 1 : i32
    scf.for %scan3A_43 = %scan3A_17 to %scan3A_19 step %scan3A_20  : i32 {
      %mul3A_44 = arith.constant 40 : i32
      %mul3A_45 = arith.muli %scan3A_43, %mul3A_44 : i32
      "tpu.region"() ({
        %run_scoped3A = tpu.sem_alloc : memref<!tpu.dma_semaphore, #tpu.memory_space<semaphore_mem>>
        %dma_start3A_60 = arith.constant 0 : i32
        %dma_start3A_61 = tpu.memref_slice %arg2[%arg0, %arg1, %mul3A_45, %dma_start3A_60] : memref<2x16x80x128xi32, #tpu.memory_space<hbm>> -> memref<1x1x40x128xi32, #tpu.memory_space<hbm>>
        %dma_start3A_62 = tpu.memref_squeeze %dma_start3A_61 : memref<1x1x40x128xi32, #tpu.memory_space<hbm>> -> memref<40x128xi32, #tpu.memory_space<hbm>>
        %dma_start3A_63 = arith.constant 0 : i32
        %dma_start3A_64 = tpu.memref_slice %arg2[%arg0, %arg1, %mul3A_45, %dma_start3A_63] : memref<2x16x80x128xi32, #tpu.memory_space<hbm>> -> memref<1x1x40x128xi32, #tpu.memory_space<hbm>>
        %dma_start3A_65 = tpu.memref_squeeze %dma_start3A_64 : memref<1x1x40x128xi32, #tpu.memory_space<hbm>> -> memref<40x128xi32, #tpu.memory_space<hbm>>
        tpu.enqueue_dma source(%dma_start3A_65 : memref<40x128xi32, #tpu.memory_space<hbm>>) target(%arg6 : memref<40x128xi32, #tpu.memory_space<vmem>>) target_semaphore(%run_scoped3A : memref<!tpu.dma_semaphore, #tpu.memory_space<semaphore_mem>>)
        %dma_wait3A = arith.constant 0 : i32
        %dma_wait3A_66 = tpu.memref_slice %arg2[%arg0, %arg1, %mul3A_45, %dma_wait3A] : memref<2x16x80x128xi32, #tpu.memory_space<hbm>> -> memref<1x1x40x128xi32, #tpu.memory_space<hbm>>
        %dma_wait3A_67 = tpu.memref_squeeze %dma_wait3A_66 : memref<1x1x40x128xi32, #tpu.memory_space<hbm>> -> memref<40x128xi32, #tpu.memory_space<hbm>>
        %dma_wait3A_68 = arith.constant 0 : i32
        %dma_wait3A_69 = tpu.memref_slice %arg2[%arg0, %arg1, %mul3A_45, %dma_wait3A_68] : memref<2x16x80x128xi32, #tpu.memory_space<hbm>> -> memref<1x1x40x128xi32, #tpu.memory_space<hbm>>
        %dma_wait3A_70 = tpu.memref_squeeze %dma_wait3A_69 : memref<1x1x40x128xi32, #tpu.memory_space<hbm>> -> memref<40x128xi32, #tpu.memory_space<hbm>>
        tpu.wait_dma2 semaphore(%run_scoped3A : memref<!tpu.dma_semaphore, #tpu.memory_space<semaphore_mem>>) src(%dma_wait3A_70 : memref<40x128xi32, #tpu.memory_space<hbm>>) dst(%arg6 : memref<40x128xi32, #tpu.memory_space<vmem>>)
        tpu.yield
      }) : () -> ()
      %mul3A_46 = arith.constant 40 : i32
      %mul3A_47 = arith.muli %scan3A_43, %mul3A_46 : i32
      "tpu.region"() ({
        %run_scoped3A = tpu.sem_alloc : memref<!tpu.dma_semaphore, #tpu.memory_space<semaphore_mem>>
        %dma_start3A_60 = arith.constant 0 : i32
        %dma_start3A_61 = tpu.memref_slice %arg3[%arg1, %mul3A_47, %dma_start3A_60] : memref<16x80x128xi32, #tpu.memory_space<hbm>> -> memref<1x40x128xi32, #tpu.memory_space<hbm>>
        %dma_start3A_62 = tpu.memref_squeeze %dma_start3A_61 : memref<1x40x128xi32, #tpu.memory_space<hbm>> -> memref<40x128xi32, #tpu.memory_space<hbm>>
        %dma_start3A_63 = arith.constant 0 : i32
        %dma_start3A_64 = tpu.memref_slice %arg3[%arg1, %mul3A_47, %dma_start3A_63] : memref<16x80x128xi32, #tpu.memory_space<hbm>> -> memref<1x40x128xi32, #tpu.memory_space<hbm>>
        %dma_start3A_65 = tpu.memref_squeeze %dma_start3A_64 : memref<1x40x128xi32, #tpu.memory_space<hbm>> -> memref<40x128xi32, #tpu.memory_space<hbm>>
        tpu.enqueue_dma source(%dma_start3A_65 : memref<40x128xi32, #tpu.memory_space<hbm>>) target(%arg7 : memref<40x128xi32, #tpu.memory_space<vmem>>) target_semaphore(%run_scoped3A : memref<!tpu.dma_semaphore, #tpu.memory_space<semaphore_mem>>)
        %dma_wait3A = arith.constant 0 : i32
        %dma_wait3A_66 = tpu.memref_slice %arg3[%arg1, %mul3A_47, %dma_wait3A] : memref<16x80x128xi32, #tpu.memory_space<hbm>> -> memref<1x40x128xi32, #tpu.memory_space<hbm>>
        %dma_wait3A_67 = tpu.memref_squeeze %dma_wait3A_66 : memref<1x40x128xi32, #tpu.memory_space<hbm>> -> memref<40x128xi32, #tpu.memory_space<hbm>>
        %dma_wait3A_68 = arith.constant 0 : i32
        %dma_wait3A_69 = tpu.memref_slice %arg3[%arg1, %mul3A_47, %dma_wait3A_68] : memref<16x80x128xi32, #tpu.memory_space<hbm>> -> memref<1x40x128xi32, #tpu.memory_space<hbm>>
        %dma_wait3A_70 = tpu.memref_squeeze %dma_wait3A_69 : memref<1x40x128xi32, #tpu.memory_space<hbm>> -> memref<40x128xi32, #tpu.memory_space<hbm>>
        tpu.wait_dma2 semaphore(%run_scoped3A : memref<!tpu.dma_semaphore, #tpu.memory_space<semaphore_mem>>) src(%dma_wait3A_70 : memref<40x128xi32, #tpu.memory_space<hbm>>) dst(%arg7 : memref<40x128xi32, #tpu.memory_space<vmem>>)
        tpu.yield
      }) : () -> ()
      %dma_start3A = arith.constant 0 : i32
      %dma_start3A_48 = arith.constant 0 : i32
      %dma_start3A_49 = tpu.memref_slice %arg6[%dma_start3A, %dma_start3A_48] : memref<40x128xi32, #tpu.memory_space<vmem>> -> memref<1x128xi32, #tpu.memory_space<vmem>>
      %dma_start3A_50 = tpu.memref_squeeze %dma_start3A_49 : memref<1x128xi32, #tpu.memory_space<vmem>> -> memref<128xi32, #tpu.memory_space<vmem>>
      %dma_start3A_51 = arith.constant 0 : i32
      %dma_start3A_52 = arith.constant 0 : i32
      %dma_start3A_53 = tpu.memref_slice %arg4[%dma_start3A_51, %dma_start3A_52] : memref<20000x128xf32, #tpu.memory_space<hbm>> -> memref<20000x128xf32, #tpu.memory_space<hbm>>
      tpu.enqueue_indirect_dma source(%dma_start3A_53 : memref<20000x128xf32, #tpu.memory_space<hbm>>) target(%arg8 : memref<128x128xf32, #tpu.memory_space<vmem>>) offsets(%dma_start3A_50 : memref<128xi32, #tpu.memory_space<vmem>>) semaphore(%arg11 : memref<!tpu.dma_semaphore, #tpu.memory_space<semaphore_mem>>)
      %scan3A_54 = arith.constant 0 : i32
      %scan3A_55 = arith.constant 0 : i32
      %scan3A_56 = arith.constant 20 : i32
      %scan3A_57 = arith.addi %scan3A_55, %scan3A_56 : i32
      %scan3A_58 = arith.constant 1 : i32
      scf.for %scan3A_60 = %scan3A_55 to %scan3A_57 step %scan3A_58  : i32 {
        %mul3A_61 = arith.constant 2 : i32
        %mul3A_62 = arith.muli %mul3A_61, %scan3A_60 : i32
        %dma_wait3A = arith.constant 0 : i32
        %dma_wait3A_63 = tpu.memref_slice %arg6[%mul3A_62, %dma_wait3A] : memref<40x128xi32, #tpu.memory_space<vmem>> -> memref<1x128xi32, #tpu.memory_space<vmem>>
        %dma_wait3A_64 = tpu.memref_squeeze %dma_wait3A_63 : memref<1x128xi32, #tpu.memory_space<vmem>> -> memref<128xi32, #tpu.memory_space<vmem>>
        %dma_wait3A_65 = arith.constant 0 : i32
        %dma_wait3A_66 = arith.constant 0 : i32
        %dma_wait3A_67 = tpu.memref_slice %arg4[%dma_wait3A_65, %dma_wait3A_66] : memref<20000x128xf32, #tpu.memory_space<hbm>> -> memref<20000x128xf32, #tpu.memory_space<hbm>>
        tpu.wait_indirect_dma semaphore(%arg11 : memref<!tpu.dma_semaphore, #tpu.memory_space<semaphore_mem>>) src(%dma_wait3A_67 : memref<20000x128xf32, #tpu.memory_space<hbm>>) dst(%arg8 : memref<128x128xf32, #tpu.memory_space<vmem>>)
        %add3A_68 = arith.constant 1 : i32
        %add3A_69 = arith.addi %mul3A_62, %add3A_68 : i32
        %dma_start3A_70 = arith.constant 0 : i32
        %dma_start3A_71 = tpu.memref_slice %arg6[%add3A_69, %dma_start3A_70] : memref<40x128xi32, #tpu.memory_space<vmem>> -> memref<1x128xi32, #tpu.memory_space<vmem>>
        %dma_start3A_72 = tpu.memref_squeeze %dma_start3A_71 : memref<1x128xi32, #tpu.memory_space<vmem>> -> memref<128xi32, #tpu.memory_space<vmem>>
        %dma_start3A_73 = arith.constant 0 : i32
        %dma_start3A_74 = arith.constant 0 : i32
        %dma_start3A_75 = tpu.memref_slice %arg4[%dma_start3A_73, %dma_start3A_74] : memref<20000x128xf32, #tpu.memory_space<hbm>> -> memref<20000x128xf32, #tpu.memory_space<hbm>>
        tpu.enqueue_indirect_dma source(%dma_start3A_75 : memref<20000x128xf32, #tpu.memory_space<hbm>>) target(%arg9 : memref<128x128xf32, #tpu.memory_space<vmem>>) offsets(%dma_start3A_72 : memref<128xi32, #tpu.memory_space<vmem>>) semaphore(%arg12 : memref<!tpu.dma_semaphore, #tpu.memory_space<semaphore_mem>>)
        "tpu.region"() ({
          %run_scoped3A = tpu.sem_alloc : memref<!tpu.dma_semaphore, #tpu.memory_space<semaphore_mem>>
          %dma_start3A_88 = arith.constant 0 : i32
          %dma_start3A_89 = tpu.memref_slice %arg7[%mul3A_62, %dma_start3A_88] : memref<40x128xi32, #tpu.memory_space<vmem>> -> memref<1x128xi32, #tpu.memory_space<vmem>>
          %dma_start3A_90 = tpu.memref_squeeze %dma_start3A_89 : memref<1x128xi32, #tpu.memory_space<vmem>> -> memref<128xi32, #tpu.memory_space<vmem>>
          %dma_start3A_91 = arith.constant 0 : i32
          %dma_start3A_92 = arith.constant 0 : i32
          %dma_start3A_93 = tpu.memref_slice %arg10[%dma_start3A_91, %dma_start3A_92] : memref<10008x128xf32, #tpu.memory_space<vmem_shared>> -> memref<10008x128xf32, #tpu.memory_space<vmem_shared>>
          tpu.enqueue_indirect_dma source(%arg8 : memref<128x128xf32, #tpu.memory_space<vmem>>) target(%dma_start3A_93 : memref<10008x128xf32, #tpu.memory_space<vmem_shared>>) offsets(%dma_start3A_90 : memref<128xi32, #tpu.memory_space<vmem>>) semaphore(%run_scoped3A : memref<!tpu.dma_semaphore, #tpu.memory_space<semaphore_mem>>) {add = true}
          %dma_wait3A_94 = arith.constant 0 : i32
          %dma_wait3A_95 = tpu.memref_slice %arg7[%mul3A_62, %dma_wait3A_94] : memref<40x128xi32, #tpu.memory_space<vmem>> -> memref<1x128xi32, #tpu.memory_space<vmem>>
          %dma_wait3A_96 = tpu.memref_squeeze %dma_wait3A_95 : memref<1x128xi32, #tpu.memory_space<vmem>> -> memref<128xi32, #tpu.memory_space<vmem>>
          %dma_wait3A_97 = arith.constant 0 : i32
          %dma_wait3A_98 = arith.constant 0 : i32
          %dma_wait3A_99 = tpu.memref_slice %arg10[%dma_wait3A_97, %dma_wait3A_98] : memref<10008x128xf32, #tpu.memory_space<vmem_shared>> -> memref<10008x128xf32, #tpu.memory_space<vmem_shared>>
          tpu.wait_indirect_dma semaphore(%run_scoped3A : memref<!tpu.dma_semaphore, #tpu.memory_space<semaphore_mem>>) src(%arg8 : memref<128x128xf32, #tpu.memory_space<vmem>>) dst(%dma_wait3A_99 : memref<10008x128xf32, #tpu.memory_space<vmem_shared>>)
          tpu.yield
        }) : () -> ()
        %add3A_76 = arith.constant 1 : i32
        %add3A_77 = arith.addi %mul3A_62, %add3A_76 : i32
        %dma_wait3A_78 = arith.constant 0 : i32
        %dma_wait3A_79 = tpu.memref_slice %arg6[%add3A_77, %dma_wait3A_78] : memref<40x128xi32, #tpu.memory_space<vmem>> -> memref<1x128xi32, #tpu.memory_space<vmem>>
        %dma_wait3A_80 = tpu.memref_squeeze %dma_wait3A_79 : memref<1x128xi32, #tpu.memory_space<vmem>> -> memref<128xi32, #tpu.memory_space<vmem>>
        %dma_wait3A_81 = arith.constant 0 : i32
        %dma_wait3A_82 = arith.constant 0 : i32
        %dma_wait3A_83 = tpu.memref_slice %arg4[%dma_wait3A_81, %dma_wait3A_82] : memref<20000x128xf32, #tpu.memory_space<hbm>> -> memref<20000x128xf32, #tpu.memory_space<hbm>>
        tpu.wait_indirect_dma semaphore(%arg12 : memref<!tpu.dma_semaphore, #tpu.memory_space<semaphore_mem>>) src(%dma_wait3A_83 : memref<20000x128xf32, #tpu.memory_space<hbm>>) dst(%arg9 : memref<128x128xf32, #tpu.memory_space<vmem>>)
        %lt3A = arith.constant 19 : i32
        %lt3A_84 = arith.cmpi slt, %scan3A_60, %lt3A : i32
        %convert_element_type3A = arith.extui %lt3A_84 : i1 to i32
        %cond3A = arith.constant 0 : i32
        %cond3A_85 = arith.cmpi ne, %convert_element_type3A, %cond3A : i32
        scf.if %cond3A_85 {
          %add3A_88 = arith.constant 2 : i32
          %add3A_89 = arith.addi %mul3A_62, %add3A_88 : i32
          %dma_start3A_90 = arith.constant 0 : i32
          %dma_start3A_91 = tpu.memref_slice %arg6[%add3A_89, %dma_start3A_90] : memref<40x128xi32, #tpu.memory_space<vmem>> -> memref<1x128xi32, #tpu.memory_space<vmem>>
          %dma_start3A_92 = tpu.memref_squeeze %dma_start3A_91 : memref<1x128xi32, #tpu.memory_space<vmem>> -> memref<128xi32, #tpu.memory_space<vmem>>
          %dma_start3A_93 = arith.constant 0 : i32
          %dma_start3A_94 = arith.constant 0 : i32
          %dma_start3A_95 = tpu.memref_slice %arg4[%dma_start3A_93, %dma_start3A_94] : memref<20000x128xf32, #tpu.memory_space<hbm>> -> memref<20000x128xf32, #tpu.memory_space<hbm>>
          tpu.enqueue_indirect_dma source(%dma_start3A_95 : memref<20000x128xf32, #tpu.memory_space<hbm>>) target(%arg8 : memref<128x128xf32, #tpu.memory_space<vmem>>) offsets(%dma_start3A_92 : memref<128xi32, #tpu.memory_space<vmem>>) semaphore(%arg11 : memref<!tpu.dma_semaphore, #tpu.memory_space<semaphore_mem>>)
        } else {
        }
        %add3A_86 = arith.constant 1 : i32
        %add3A_87 = arith.addi %mul3A_62, %add3A_86 : i32
        "tpu.region"() ({
          %run_scoped3A = tpu.sem_alloc : memref<!tpu.dma_semaphore, #tpu.memory_space<semaphore_mem>>
          %dma_start3A_88 = arith.constant 0 : i32
          %dma_start3A_89 = tpu.memref_slice %arg7[%add3A_87, %dma_start3A_88] : memref<40x128xi32, #tpu.memory_space<vmem>> -> memref<1x128xi32, #tpu.memory_space<vmem>>
          %dma_start3A_90 = tpu.memref_squeeze %dma_start3A_89 : memref<1x128xi32, #tpu.memory_space<vmem>> -> memref<128xi32, #tpu.memory_space<vmem>>
          %dma_start3A_91 = arith.constant 0 : i32
          %dma_start3A_92 = arith.constant 0 : i32
          %dma_start3A_93 = tpu.memref_slice %arg10[%dma_start3A_91, %dma_start3A_92] : memref<10008x128xf32, #tpu.memory_space<vmem_shared>> -> memref<10008x128xf32, #tpu.memory_space<vmem_shared>>
          tpu.enqueue_indirect_dma source(%arg9 : memref<128x128xf32, #tpu.memory_space<vmem>>) target(%dma_start3A_93 : memref<10008x128xf32, #tpu.memory_space<vmem_shared>>) offsets(%dma_start3A_90 : memref<128xi32, #tpu.memory_space<vmem>>) semaphore(%run_scoped3A : memref<!tpu.dma_semaphore, #tpu.memory_space<semaphore_mem>>) {add = true}
          %dma_wait3A_94 = arith.constant 0 : i32
          %dma_wait3A_95 = tpu.memref_slice %arg7[%add3A_87, %dma_wait3A_94] : memref<40x128xi32, #tpu.memory_space<vmem>> -> memref<1x128xi32, #tpu.memory_space<vmem>>
          %dma_wait3A_96 = tpu.memref_squeeze %dma_wait3A_95 : memref<1x128xi32, #tpu.memory_space<vmem>> -> memref<128xi32, #tpu.memory_space<vmem>>
          %dma_wait3A_97 = arith.constant 0 : i32
          %dma_wait3A_98 = arith.constant 0 : i32
          %dma_wait3A_99 = tpu.memref_slice %arg10[%dma_wait3A_97, %dma_wait3A_98] : memref<10008x128xf32, #tpu.memory_space<vmem_shared>> -> memref<10008x128xf32, #tpu.memory_space<vmem_shared>>
          tpu.wait_indirect_dma semaphore(%run_scoped3A : memref<!tpu.dma_semaphore, #tpu.memory_space<semaphore_mem>>) src(%arg9 : memref<128x128xf32, #tpu.memory_space<vmem>>) dst(%dma_wait3A_99 : memref<10008x128xf32, #tpu.memory_space<vmem_shared>>)
          tpu.yield
        }) : () -> ()
      }
      %scan3A_59 = arith.constant 20 : i32
    }
    %scan3A_21 = arith.constant 2 : i32
    %barrier3A_22 = arith.constant 0 : index
    tpu.barrier barrier_id(%barrier3A_22)
    %mul3A_23 = arith.constant 625 : i32
    %mul3A_24 = arith.muli %arg1, %mul3A_23 : i32
    %jit3A = arith.constant 8 : i32
    %div3A = arith.divsi %mul3A_24, %jit3A : i32
    %sign3A = arith.constant 0 : i32
    %sign3A_25 = arith.cmpi sgt, %mul3A_24, %sign3A : i32
    %sign3A_26 = arith.extui %sign3A_25 : i1 to i32
    %sign3A_27 = arith.constant 0 : i32
    %sign3A_28 = arith.cmpi slt, %mul3A_24, %sign3A_27 : i32
    %sign3A_29 = arith.extui %sign3A_28 : i1 to i32
    %sign3A_30 = arith.subi %sign3A_26, %sign3A_29 : i32
    %sign3A_31 = arith.constant 0 : i32
    %sign3A_32 = arith.cmpi sgt, %jit3A, %sign3A_31 : i32
    %sign3A_33 = arith.extui %sign3A_32 : i1 to i32
    %sign3A_34 = arith.constant 0 : i32
    %sign3A_35 = arith.cmpi slt, %jit3A, %sign3A_34 : i32
    %sign3A_36 = arith.extui %sign3A_35 : i1 to i32
    %sign3A_37 = arith.subi %sign3A_33, %sign3A_36 : i32
    %ne3A = arith.cmpi ne, %sign3A_30, %sign3A_37 : i32
    %rem3A = arith.remsi %mul3A_24, %jit3A : i32
    %ne3A_38 = arith.constant 0 : i32
    %ne3A_39 = arith.cmpi ne, %rem3A, %ne3A_38 : i32
    %and3A = arith.andi %ne3A, %ne3A_39 : i1
    %sub3A = arith.constant 1 : i32
    %sub3A_40 = arith.subi %div3A, %sub3A : i32
    %select_n3A = arith.select %and3A, %sub3A_40, %div3A : i32
    %mul3A_41 = arith.constant 8 : i32
    %mul3A_42 = arith.muli %select_n3A, %mul3A_41 : i32
    %multiple_of3A = tpu.assume_multiple %mul3A_42, 8 : i32
    "tpu.region"() ({
      %run_scoped3A = tpu.sem_alloc : memref<!tpu.dma_semaphore, #tpu.memory_space<semaphore_mem>>
      %dma_start3A = arith.constant 0 : i32
      %dma_start3A_43 = tpu.memref_slice %arg5[%arg0, %multiple_of3A, %dma_start3A] : memref<2x10000x128xf32, #tpu.memory_space<hbm>> -> memref<1x632x128xf32, #tpu.memory_space<hbm>>
      %dma_start3A_44 = tpu.memref_squeeze %dma_start3A_43 : memref<1x632x128xf32, #tpu.memory_space<hbm>> -> memref<632x128xf32, #tpu.memory_space<hbm>>
      %dma_start3A_45 = arith.constant 0 : i32
      %dma_start3A_46 = tpu.memref_slice %arg10[%multiple_of3A, %dma_start3A_45] : memref<10008x128xf32, #tpu.memory_space<vmem_shared>> -> memref<632x128xf32, #tpu.memory_space<vmem_shared>>
      tpu.enqueue_dma source(%dma_start3A_46 : memref<632x128xf32, #tpu.memory_space<vmem_shared>>) target(%dma_start3A_44 : memref<632x128xf32, #tpu.memory_space<hbm>>) target_semaphore(%run_scoped3A : memref<!tpu.dma_semaphore, #tpu.memory_space<semaphore_mem>>)
      %dma_wait3A = arith.constant 0 : i32
      %dma_wait3A_47 = tpu.memref_slice %arg5[%arg0, %multiple_of3A, %dma_wait3A] : memref<2x10000x128xf32, #tpu.memory_space<hbm>> -> memref<1x632x128xf32, #tpu.memory_space<hbm>>
      %dma_wait3A_48 = tpu.memref_squeeze %dma_wait3A_47 : memref<1x632x128xf32, #tpu.memory_space<hbm>> -> memref<632x128xf32, #tpu.memory_space<hbm>>
      %dma_wait3A_49 = arith.constant 0 : i32
      %dma_wait3A_50 = tpu.memref_slice %arg10[%multiple_of3A, %dma_wait3A_49] : memref<10008x128xf32, #tpu.memory_space<vmem_shared>> -> memref<632x128xf32, #tpu.memory_space<vmem_shared>>
      tpu.wait_dma2 semaphore(%run_scoped3A : memref<!tpu.dma_semaphore, #tpu.memory_space<semaphore_mem>>) src(%dma_wait3A_50 : memref<632x128xf32, #tpu.memory_space<vmem_shared>>) dst(%dma_wait3A_48 : memref<632x128xf32, #tpu.memory_space<hbm>>)
      tpu.yield
    }) : () -> ()
    return
  }
}

#map = affine_map<(d0, d1) -> (0)>
#map1 = affine_map<(d0, d1) -> (0, 0, 0)>
module attributes {stable_mosaic.version = 14 : i64} {
  func.func @_deg_body(%arg0: i32, %arg1: i32, %arg2: memref<160256xi32, #tpu.memory_space<hbm>>, %arg3: memref<32x80x128xf32, #tpu.memory_space<hbm>>, %arg4: memref<5008xi32, #tpu.memory_space<vmem>>, %arg5: memref<80x128xf32, #tpu.memory_space<vmem>>) attributes {dimension_semantics = [#tpu.dimension_semantics<core_parallel>, #tpu.dimension_semantics<subcore_parallel>], iteration_bounds = array<i64: 2, 16>, scalar_prefetch = 0 : i64, scratch_operands = 2 : i64, tpu.core_type = #tpu.core_type<sc_vector_subcore>, window_params = [{transform_indices = #map}, {transform_indices = #map1}]} {
    %mul3A = arith.constant 2 : i32
    %mul3A_0 = arith.muli %arg1, %mul3A : i32
    %add3A = arith.addi %mul3A_0, %arg0 : i32
    %mul3A_1 = arith.constant 5008 : i32
    %mul3A_2 = arith.muli %add3A, %mul3A_1 : i32
    "tpu.region"() ({
      %run_scoped3A = tpu.sem_alloc : memref<!tpu.dma_semaphore, #tpu.memory_space<semaphore_mem>>
      %dma_start3A = tpu.memref_slice %arg2[%mul3A_2] : memref<160256xi32, #tpu.memory_space<hbm>> -> memref<5008xi32, #tpu.memory_space<hbm>>
      %dma_start3A_17 = tpu.memref_slice %arg2[%mul3A_2] : memref<160256xi32, #tpu.memory_space<hbm>> -> memref<5008xi32, #tpu.memory_space<hbm>>
      tpu.enqueue_dma source(%dma_start3A_17 : memref<5008xi32, #tpu.memory_space<hbm>>) target(%arg4 : memref<5008xi32, #tpu.memory_space<vmem>>) target_semaphore(%run_scoped3A : memref<!tpu.dma_semaphore, #tpu.memory_space<semaphore_mem>>)
      %dma_wait3A = tpu.memref_slice %arg2[%mul3A_2] : memref<160256xi32, #tpu.memory_space<hbm>> -> memref<5008xi32, #tpu.memory_space<hbm>>
      %dma_wait3A_18 = tpu.memref_slice %arg2[%mul3A_2] : memref<160256xi32, #tpu.memory_space<hbm>> -> memref<5008xi32, #tpu.memory_space<hbm>>
      tpu.wait_dma2 semaphore(%run_scoped3A : memref<!tpu.dma_semaphore, #tpu.memory_space<semaphore_mem>>) src(%dma_wait3A_18 : memref<5008xi32, #tpu.memory_space<hbm>>) dst(%arg4 : memref<5008xi32, #tpu.memory_space<vmem>>)
      tpu.yield
    }) : () -> ()
    %broadcast_in_dim3A = arith.constant 0.000000e+00 : f32
    %broadcast_in_dim3A_3 = vector.broadcast %broadcast_in_dim3A : f32 to vector<16xf32>
    %broadcast_in_dim3A_4 = arith.constant 1.000000e+00 : f32
    %broadcast_in_dim3A_5 = vector.broadcast %broadcast_in_dim3A_4 : f32 to vector<16xf32>
    %scan3A = arith.constant 0 : i32
    %scan3A_6 = arith.constant 0 : i32
    %scan3A_7 = arith.constant 80 : i32
    %scan3A_8 = arith.addi %scan3A_6, %scan3A_7 : i32
    %scan3A_9 = arith.constant 1 : i32
    scf.for %scan3A_17 = %scan3A_6 to %scan3A_8 step %scan3A_9  : i32 {
      %swap3A = arith.index_cast %scan3A_17 : i32 to index
      %swap3A_18 = arith.constant 0 : index
      %swap3A_19 = tpu.vector_load %arg5[%swap3A, %swap3A_18] {strides = array<i32>} : memref<80x128xf32, #tpu.memory_space<vmem>>, vector<16xf32>,
      tpu.vector_store %arg5[%swap3A, %swap3A_18], %broadcast_in_dim3A_3 {strides = array<i32>} : memref<80x128xf32, #tpu.memory_space<vmem>>, vector<16xf32>,
      %swap3A_20 = arith.index_cast %scan3A_17 : i32 to index
      %swap3A_21 = arith.constant 16 : index
      %swap3A_22 = tpu.vector_load %arg5[%swap3A_20, %swap3A_21] {strides = array<i32>} : memref<80x128xf32, #tpu.memory_space<vmem>>, vector<16xf32>,
      tpu.vector_store %arg5[%swap3A_20, %swap3A_21], %broadcast_in_dim3A_3 {strides = array<i32>} : memref<80x128xf32, #tpu.memory_space<vmem>>, vector<16xf32>,
      %swap3A_23 = arith.index_cast %scan3A_17 : i32 to index
      %swap3A_24 = arith.constant 32 : index
      %swap3A_25 = tpu.vector_load %arg5[%swap3A_23, %swap3A_24] {strides = array<i32>} : memref<80x128xf32, #tpu.memory_space<vmem>>, vector<16xf32>,
      tpu.vector_store %arg5[%swap3A_23, %swap3A_24], %broadcast_in_dim3A_3 {strides = array<i32>} : memref<80x128xf32, #tpu.memory_space<vmem>>, vector<16xf32>,
      %swap3A_26 = arith.index_cast %scan3A_17 : i32 to index
      %swap3A_27 = arith.constant 48 : index
      %swap3A_28 = tpu.vector_load %arg5[%swap3A_26, %swap3A_27] {strides = array<i32>} : memref<80x128xf32, #tpu.memory_space<vmem>>, vector<16xf32>,
      tpu.vector_store %arg5[%swap3A_26, %swap3A_27], %broadcast_in_dim3A_3 {strides = array<i32>} : memref<80x128xf32, #tpu.memory_space<vmem>>, vector<16xf32>,
      %swap3A_29 = arith.index_cast %scan3A_17 : i32 to index
      %swap3A_30 = arith.constant 64 : index
      %swap3A_31 = tpu.vector_load %arg5[%swap3A_29, %swap3A_30] {strides = array<i32>} : memref<80x128xf32, #tpu.memory_space<vmem>>, vector<16xf32>,
      tpu.vector_store %arg5[%swap3A_29, %swap3A_30], %broadcast_in_dim3A_3 {strides = array<i32>} : memref<80x128xf32, #tpu.memory_space<vmem>>, vector<16xf32>,
      %swap3A_32 = arith.index_cast %scan3A_17 : i32 to index
      %swap3A_33 = arith.constant 80 : index
      %swap3A_34 = tpu.vector_load %arg5[%swap3A_32, %swap3A_33] {strides = array<i32>} : memref<80x128xf32, #tpu.memory_space<vmem>>, vector<16xf32>,
      tpu.vector_store %arg5[%swap3A_32, %swap3A_33], %broadcast_in_dim3A_3 {strides = array<i32>} : memref<80x128xf32, #tpu.memory_space<vmem>>, vector<16xf32>,
      %swap3A_35 = arith.index_cast %scan3A_17 : i32 to index
      %swap3A_36 = arith.constant 96 : index
      %swap3A_37 = tpu.vector_load %arg5[%swap3A_35, %swap3A_36] {strides = array<i32>} : memref<80x128xf32, #tpu.memory_space<vmem>>, vector<16xf32>,
      tpu.vector_store %arg5[%swap3A_35, %swap3A_36], %broadcast_in_dim3A_3 {strides = array<i32>} : memref<80x128xf32, #tpu.memory_space<vmem>>, vector<16xf32>,
      %swap3A_38 = arith.index_cast %scan3A_17 : i32 to index
      %swap3A_39 = arith.constant 112 : index
      %swap3A_40 = tpu.vector_load %arg5[%swap3A_38, %swap3A_39] {strides = array<i32>} : memref<80x128xf32, #tpu.memory_space<vmem>>, vector<16xf32>,
      tpu.vector_store %arg5[%swap3A_38, %swap3A_39], %broadcast_in_dim3A_3 {strides = array<i32>} : memref<80x128xf32, #tpu.memory_space<vmem>>, vector<16xf32>,
    }
    %scan3A_10 = arith.constant 80 : i32
    %scan3A_11 = arith.constant 0 : i32
    %scan3A_12 = arith.constant 0 : i32
    %scan3A_13 = arith.constant 313 : i32
    %scan3A_14 = arith.addi %scan3A_12, %scan3A_13 : i32
    %scan3A_15 = arith.constant 1 : i32
    scf.for %scan3A_17 = %scan3A_12 to %scan3A_14 step %scan3A_15  : i32 {
      %mul3A_18 = arith.constant 16 : i32
      %mul3A_19 = arith.muli %scan3A_17, %mul3A_18 : i32
      %get3A = arith.index_cast %mul3A_19 : i32 to index
      %get3A_20 = tpu.vector_load %arg4[%get3A] {strides = array<i32>} : memref<5008xi32, #tpu.memory_space<vmem>>, vector<16xi32>,
      %shift_right_logical3A = arith.constant 7 : i32
      %shift_right_logical3A_21 = vector.broadcast %shift_right_logical3A : i32 to vector<16xi32>
      %shift_right_logical3A_22 = arith.shrui %get3A_20, %shift_right_logical3A_21 : vector<16xi32>
      %and3A = arith.constant 127 : i32
      %and3A_23 = vector.broadcast %and3A : i32 to vector<16xi32>
      %and3A_24 = arith.andi %get3A_20, %and3A_23 : vector<16xi32>
      tpu.vector_store_idx %arg5[%shift_right_logical3A_22, %and3A_24], %broadcast_in_dim3A_5 {add = true} : memref<80x128xf32, #tpu.memory_space<vmem>>[vector<16xi32>, vector<16xi32>], vector<16xf32>,
    }
    %scan3A_16 = arith.constant 313 : i32
    "tpu.region"() ({
      %run_scoped3A = tpu.sem_alloc : memref<!tpu.dma_semaphore, #tpu.memory_space<semaphore_mem>>
      %dma_start3A = arith.constant 0 : i32
      %dma_start3A_17 = arith.constant 0 : i32
      %dma_start3A_18 = tpu.memref_slice %arg3[%add3A, %dma_start3A, %dma_start3A_17] : memref<32x80x128xf32, #tpu.memory_space<hbm>> -> memref<1x80x128xf32, #tpu.memory_space<hbm>>
      %dma_start3A_19 = tpu.memref_squeeze %dma_start3A_18 : memref<1x80x128xf32, #tpu.memory_space<hbm>> -> memref<80x128xf32, #tpu.memory_space<hbm>>
      %dma_start3A_20 = arith.constant 0 : i32
      %dma_start3A_21 = arith.constant 0 : i32
      %dma_start3A_22 = tpu.memref_slice %arg3[%add3A, %dma_start3A_20, %dma_start3A_21] : memref<32x80x128xf32, #tpu.memory_space<hbm>> -> memref<1x80x128xf32, #tpu.memory_space<hbm>>
      %dma_start3A_23 = tpu.memref_squeeze %dma_start3A_22 : memref<1x80x128xf32, #tpu.memory_space<hbm>> -> memref<80x128xf32, #tpu.memory_space<hbm>>
      tpu.enqueue_dma source(%arg5 : memref<80x128xf32, #tpu.memory_space<vmem>>) target(%dma_start3A_23 : memref<80x128xf32, #tpu.memory_space<hbm>>) target_semaphore(%run_scoped3A : memref<!tpu.dma_semaphore, #tpu.memory_space<semaphore_mem>>)
      %dma_wait3A = arith.constant 0 : i32
      %dma_wait3A_24 = arith.constant 0 : i32
      %dma_wait3A_25 = tpu.memref_slice %arg3[%add3A, %dma_wait3A, %dma_wait3A_24] : memref<32x80x128xf32, #tpu.memory_space<hbm>> -> memref<1x80x128xf32, #tpu.memory_space<hbm>>
      %dma_wait3A_26 = tpu.memref_squeeze %dma_wait3A_25 : memref<1x80x128xf32, #tpu.memory_space<hbm>> -> memref<80x128xf32, #tpu.memory_space<hbm>>
      %dma_wait3A_27 = arith.constant 0 : i32
      %dma_wait3A_28 = arith.constant 0 : i32
      %dma_wait3A_29 = tpu.memref_slice %arg3[%add3A, %dma_wait3A_27, %dma_wait3A_28] : memref<32x80x128xf32, #tpu.memory_space<hbm>> -> memref<1x80x128xf32, #tpu.memory_space<hbm>>
      %dma_wait3A_30 = tpu.memref_squeeze %dma_wait3A_29 : memref<1x80x128xf32, #tpu.memory_space<hbm>> -> memref<80x128xf32, #tpu.memory_space<hbm>>
      tpu.wait_dma2 semaphore(%run_scoped3A : memref<!tpu.dma_semaphore, #tpu.memory_space<semaphore_mem>>) src(%arg5 : memref<80x128xf32, #tpu.memory_space<vmem>>) dst(%dma_wait3A_30 : memref<80x128xf32, #tpu.memory_space<hbm>>)
      tpu.yield
    }) : () -> ()
    return
  }
}

#map = affine_map<(d0, d1) -> (0, 0, 0, 0)>
#map1 = affine_map<(d0, d1) -> (0, 0, 0)>
#map2 = affine_map<(d0, d1) -> (0, 0)>
module attributes {stable_mosaic.version = 14 : i64} {
  func.func @_scat_body(%arg0: i32, %arg1: i32, %arg2: memref<2x16x80x128xi32, #tpu.memory_space<hbm>>, %arg3: memref<16x80x128xi32, #tpu.memory_space<hbm>>, %arg4: memref<20000x128xf32, #tpu.memory_space<hbm>>, %arg5: memref<2x10000x128xf32, #tpu.memory_space<hbm>>, %arg6: memref<40x128xi32, #tpu.memory_space<vmem>>, %arg7: memref<40x128xi32, #tpu.memory_space<vmem>>, %arg8: memref<128x128xf32, #tpu.memory_space<vmem>>, %arg9: memref<128x128xf32, #tpu.memory_space<vmem>>, %arg10: memref<10008x128xf32, #tpu.memory_space<vmem_shared>>, %arg11: memref<!tpu.dma_semaphore, #tpu.memory_space<semaphore_mem>>, %arg12: memref<!tpu.dma_semaphore, #tpu.memory_space<semaphore_mem>>) attributes {dimension_semantics = [#tpu.dimension_semantics<core_parallel>, #tpu.dimension_semantics<subcore_parallel>], iteration_bounds = array<i64: 2, 16>, scalar_prefetch = 0 : i64, scratch_operands = 7 : i64, tpu.core_type = #tpu.core_type<sc_vector_subcore>, window_params = [{transform_indices = #map}, {transform_indices = #map1}, {transform_indices = #map2}, {transform_indices = #map1}]} {
    %broadcast_in_dim3A = arith.constant 0.000000e+00 : f32
    %broadcast_in_dim3A_0 = vector.broadcast %broadcast_in_dim3A : f32 to vector<16xf32>
    %scan3A = arith.constant 0 : i32
    %scan3A_1 = arith.constant 0 : i32
    %scan3A_2 = arith.constant 128 : i32
    %scan3A_3 = arith.addi %scan3A_1, %scan3A_2 : i32
    %scan3A_4 = arith.constant 1 : i32
    scf.for %scan3A_43 = %scan3A_1 to %scan3A_3 step %scan3A_4  : i32 {
      %swap3A = arith.index_cast %scan3A_43 : i32 to index
      %swap3A_44 = arith.constant 0 : index
      %swap3A_45 = tpu.vector_load %arg8[%swap3A, %swap3A_44] {strides = array<i32>} : memref<128x128xf32, #tpu.memory_space<vmem>>, vector<1x16xf32>,
      %swap3A_46 = vector.shape_cast %swap3A_45 : vector<1x16xf32> to vector<16xf32>
      %swap3A_47 = vector.shape_cast %broadcast_in_dim3A_0 : vector<16xf32> to vector<1x16xf32>
      tpu.vector_store %arg8[%swap3A, %swap3A_44], %swap3A_47 {strides = array<i32>} : memref<128x128xf32, #tpu.memory_space<vmem>>, vector<1x16xf32>,
      %swap3A_48 = arith.index_cast %scan3A_43 : i32 to index
      %swap3A_49 = arith.constant 16 : index
      %swap3A_50 = tpu.vector_load %arg8[%swap3A_48, %swap3A_49] {strides = array<i32>} : memref<128x128xf32, #tpu.memory_space<vmem>>, vector<1x16xf32>,
      %swap3A_51 = vector.shape_cast %swap3A_50 : vector<1x16xf32> to vector<16xf32>
      %swap3A_52 = vector.shape_cast %broadcast_in_dim3A_0 : vector<16xf32> to vector<1x16xf32>
      tpu.vector_store %arg8[%swap3A_48, %swap3A_49], %swap3A_52 {strides = array<i32>} : memref<128x128xf32, #tpu.memory_space<vmem>>, vector<1x16xf32>,
      %swap3A_53 = arith.index_cast %scan3A_43 : i32 to index
      %swap3A_54 = arith.constant 32 : index
      %swap3A_55 = tpu.vector_load %arg8[%swap3A_53, %swap3A_54] {strides = array<i32>} : memref<128x128xf32, #tpu.memory_space<vmem>>, vector<1x16xf32>,
      %swap3A_56 = vector.shape_cast %swap3A_55 : vector<1x16xf32> to vector<16xf32>
      %swap3A_57 = vector.shape_cast %broadcast_in_dim3A_0 : vector<16xf32> to vector<1x16xf32>
      tpu.vector_store %arg8[%swap3A_53, %swap3A_54], %swap3A_57 {strides = array<i32>} : memref<128x128xf32, #tpu.memory_space<vmem>>, vector<1x16xf32>,
      %swap3A_58 = arith.index_cast %scan3A_43 : i32 to index
      %swap3A_59 = arith.constant 48 : index
      %swap3A_60 = tpu.vector_load %arg8[%swap3A_58, %swap3A_59] {strides = array<i32>} : memref<128x128xf32, #tpu.memory_space<vmem>>, vector<1x16xf32>,
      %swap3A_61 = vector.shape_cast %swap3A_60 : vector<1x16xf32> to vector<16xf32>
      %swap3A_62 = vector.shape_cast %broadcast_in_dim3A_0 : vector<16xf32> to vector<1x16xf32>
      tpu.vector_store %arg8[%swap3A_58, %swap3A_59], %swap3A_62 {strides = array<i32>} : memref<128x128xf32, #tpu.memory_space<vmem>>, vector<1x16xf32>,
      %swap3A_63 = arith.index_cast %scan3A_43 : i32 to index
      %swap3A_64 = arith.constant 64 : index
      %swap3A_65 = tpu.vector_load %arg8[%swap3A_63, %swap3A_64] {strides = array<i32>} : memref<128x128xf32, #tpu.memory_space<vmem>>, vector<1x16xf32>,
      %swap3A_66 = vector.shape_cast %swap3A_65 : vector<1x16xf32> to vector<16xf32>
      %swap3A_67 = vector.shape_cast %broadcast_in_dim3A_0 : vector<16xf32> to vector<1x16xf32>
      tpu.vector_store %arg8[%swap3A_63, %swap3A_64], %swap3A_67 {strides = array<i32>} : memref<128x128xf32, #tpu.memory_space<vmem>>, vector<1x16xf32>,
      %swap3A_68 = arith.index_cast %scan3A_43 : i32 to index
      %swap3A_69 = arith.constant 80 : index
      %swap3A_70 = tpu.vector_load %arg8[%swap3A_68, %swap3A_69] {strides = array<i32>} : memref<128x128xf32, #tpu.memory_space<vmem>>, vector<1x16xf32>,
      %swap3A_71 = vector.shape_cast %swap3A_70 : vector<1x16xf32> to vector<16xf32>
      %swap3A_72 = vector.shape_cast %broadcast_in_dim3A_0 : vector<16xf32> to vector<1x16xf32>
      tpu.vector_store %arg8[%swap3A_68, %swap3A_69], %swap3A_72 {strides = array<i32>} : memref<128x128xf32, #tpu.memory_space<vmem>>, vector<1x16xf32>,
      %swap3A_73 = arith.index_cast %scan3A_43 : i32 to index
      %swap3A_74 = arith.constant 96 : index
      %swap3A_75 = tpu.vector_load %arg8[%swap3A_73, %swap3A_74] {strides = array<i32>} : memref<128x128xf32, #tpu.memory_space<vmem>>, vector<1x16xf32>,
      %swap3A_76 = vector.shape_cast %swap3A_75 : vector<1x16xf32> to vector<16xf32>
      %swap3A_77 = vector.shape_cast %broadcast_in_dim3A_0 : vector<16xf32> to vector<1x16xf32>
      tpu.vector_store %arg8[%swap3A_73, %swap3A_74], %swap3A_77 {strides = array<i32>} : memref<128x128xf32, #tpu.memory_space<vmem>>, vector<1x16xf32>,
      %swap3A_78 = arith.index_cast %scan3A_43 : i32 to index
      %swap3A_79 = arith.constant 112 : index
      %swap3A_80 = tpu.vector_load %arg8[%swap3A_78, %swap3A_79] {strides = array<i32>} : memref<128x128xf32, #tpu.memory_space<vmem>>, vector<1x16xf32>,
      %swap3A_81 = vector.shape_cast %swap3A_80 : vector<1x16xf32> to vector<16xf32>
      %swap3A_82 = vector.shape_cast %broadcast_in_dim3A_0 : vector<16xf32> to vector<1x16xf32>
      tpu.vector_store %arg8[%swap3A_78, %swap3A_79], %swap3A_82 {strides = array<i32>} : memref<128x128xf32, #tpu.memory_space<vmem>>, vector<1x16xf32>,
    }
    %scan3A_5 = arith.constant 128 : i32
    %mul3A = arith.constant 625 : i32
    %mul3A_6 = arith.muli %arg1, %mul3A : i32
    %add3A = arith.constant 0 : i32
    %add3A_7 = arith.addi %mul3A_6, %add3A : i32
    "tpu.region"() ({
      %run_scoped3A = tpu.sem_alloc : memref<!tpu.dma_semaphore, #tpu.memory_space<semaphore_mem>>
      %dma_start3A = arith.constant 0 : i32
      %dma_start3A_43 = arith.constant 0 : i32
      %dma_start3A_44 = tpu.memref_slice %arg8[%dma_start3A, %dma_start3A_43] : memref<128x128xf32, #tpu.memory_space<vmem>> -> memref<125x128xf32, #tpu.memory_space<vmem>>
      %dma_start3A_45 = arith.constant 0 : i32
      %dma_start3A_46 = tpu.memref_slice %arg10[%add3A_7, %dma_start3A_45] : memref<10008x128xf32, #tpu.memory_space<vmem_shared>> -> memref<125x128xf32, #tpu.memory_space<vmem_shared>>
      %dma_start3A_47 = arith.constant 0 : i32
      %dma_start3A_48 = tpu.memref_slice %arg10[%add3A_7, %dma_start3A_47] : memref<10008x128xf32, #tpu.memory_space<vmem_shared>> -> memref<125x128xf32, #tpu.memory_space<vmem_shared>>
      %dma_start3A_49 = arith.constant 0 : i32
      %dma_start3A_50 = arith.constant 0 : i32
      %dma_start3A_51 = tpu.memref_slice %arg8[%dma_start3A_49, %dma_start3A_50] : memref<128x128xf32, #tpu.memory_space<vmem>> -> memref<125x128xf32, #tpu.memory_space<vmem>>
      tpu.enqueue_dma source(%dma_start3A_51 : memref<125x128xf32, #tpu.memory_space<vmem>>) target(%dma_start3A_48 : memref<125x128xf32, #tpu.memory_space<vmem_shared>>) target_semaphore(%run_scoped3A : memref<!tpu.dma_semaphore, #tpu.memory_space<semaphore_mem>>)
      %dma_wait3A = arith.constant 0 : i32
      %dma_wait3A_52 = arith.constant 0 : i32
      %dma_wait3A_53 = tpu.memref_slice %arg8[%dma_wait3A, %dma_wait3A_52] : memref<128x128xf32, #tpu.memory_space<vmem>> -> memref<125x128xf32, #tpu.memory_space<vmem>>
      %dma_wait3A_54 = arith.constant 0 : i32
      %dma_wait3A_55 = tpu.memref_slice %arg10[%add3A_7, %dma_wait3A_54] : memref<10008x128xf32, #tpu.memory_space<vmem_shared>> -> memref<125x128xf32, #tpu.memory_space<vmem_shared>>
      %dma_wait3A_56 = arith.constant 0 : i32
      %dma_wait3A_57 = tpu.memref_slice %arg10[%add3A_7, %dma_wait3A_56] : memref<10008x128xf32, #tpu.memory_space<vmem_shared>> -> memref<125x128xf32, #tpu.memory_space<vmem_shared>>
      %dma_wait3A_58 = arith.constant 0 : i32
      %dma_wait3A_59 = arith.constant 0 : i32
      %dma_wait3A_60 = tpu.memref_slice %arg8[%dma_wait3A_58, %dma_wait3A_59] : memref<128x128xf32, #tpu.memory_space<vmem>> -> memref<125x128xf32, #tpu.memory_space<vmem>>
      tpu.wait_dma2 semaphore(%run_scoped3A : memref<!tpu.dma_semaphore, #tpu.memory_space<semaphore_mem>>) src(%dma_wait3A_60 : memref<125x128xf32, #tpu.memory_space<vmem>>) dst(%dma_wait3A_57 : memref<125x128xf32, #tpu.memory_space<vmem_shared>>)
      tpu.yield
    }) : () -> ()
    %add3A_8 = arith.constant 125 : i32
    %add3A_9 = arith.addi %mul3A_6, %add3A_8 : i32
    "tpu.region"() ({
      %run_scoped3A = tpu.sem_alloc : memref<!tpu.dma_semaphore, #tpu.memory_space<semaphore_mem>>
      %dma_start3A = arith.constant 0 : i32
      %dma_start3A_43 = arith.constant 0 : i32
      %dma_start3A_44 = tpu.memref_slice %arg8[%dma_start3A, %dma_start3A_43] : memref<128x128xf32, #tpu.memory_space<vmem>> -> memref<125x128xf32, #tpu.memory_space<vmem>>
      %dma_start3A_45 = arith.constant 0 : i32
      %dma_start3A_46 = tpu.memref_slice %arg10[%add3A_9, %dma_start3A_45] : memref<10008x128xf32, #tpu.memory_space<vmem_shared>> -> memref<125x128xf32, #tpu.memory_space<vmem_shared>>
      %dma_start3A_47 = arith.constant 0 : i32
      %dma_start3A_48 = tpu.memref_slice %arg10[%add3A_9, %dma_start3A_47] : memref<10008x128xf32, #tpu.memory_space<vmem_shared>> -> memref<125x128xf32, #tpu.memory_space<vmem_shared>>
      %dma_start3A_49 = arith.constant 0 : i32
      %dma_start3A_50 = arith.constant 0 : i32
      %dma_start3A_51 = tpu.memref_slice %arg8[%dma_start3A_49, %dma_start3A_50] : memref<128x128xf32, #tpu.memory_space<vmem>> -> memref<125x128xf32, #tpu.memory_space<vmem>>
      tpu.enqueue_dma source(%dma_start3A_51 : memref<125x128xf32, #tpu.memory_space<vmem>>) target(%dma_start3A_48 : memref<125x128xf32, #tpu.memory_space<vmem_shared>>) target_semaphore(%run_scoped3A : memref<!tpu.dma_semaphore, #tpu.memory_space<semaphore_mem>>)
      %dma_wait3A = arith.constant 0 : i32
      %dma_wait3A_52 = arith.constant 0 : i32
      %dma_wait3A_53 = tpu.memref_slice %arg8[%dma_wait3A, %dma_wait3A_52] : memref<128x128xf32, #tpu.memory_space<vmem>> -> memref<125x128xf32, #tpu.memory_space<vmem>>
      %dma_wait3A_54 = arith.constant 0 : i32
      %dma_wait3A_55 = tpu.memref_slice %arg10[%add3A_9, %dma_wait3A_54] : memref<10008x128xf32, #tpu.memory_space<vmem_shared>> -> memref<125x128xf32, #tpu.memory_space<vmem_shared>>
      %dma_wait3A_56 = arith.constant 0 : i32
      %dma_wait3A_57 = tpu.memref_slice %arg10[%add3A_9, %dma_wait3A_56] : memref<10008x128xf32, #tpu.memory_space<vmem_shared>> -> memref<125x128xf32, #tpu.memory_space<vmem_shared>>
      %dma_wait3A_58 = arith.constant 0 : i32
      %dma_wait3A_59 = arith.constant 0 : i32
      %dma_wait3A_60 = tpu.memref_slice %arg8[%dma_wait3A_58, %dma_wait3A_59] : memref<128x128xf32, #tpu.memory_space<vmem>> -> memref<125x128xf32, #tpu.memory_space<vmem>>
      tpu.wait_dma2 semaphore(%run_scoped3A : memref<!tpu.dma_semaphore, #tpu.memory_space<semaphore_mem>>) src(%dma_wait3A_60 : memref<125x128xf32, #tpu.memory_space<vmem>>) dst(%dma_wait3A_57 : memref<125x128xf32, #tpu.memory_space<vmem_shared>>)
      tpu.yield
    }) : () -> ()
    %add3A_10 = arith.constant 250 : i32
    %add3A_11 = arith.addi %mul3A_6, %add3A_10 : i32
    "tpu.region"() ({
      %run_scoped3A = tpu.sem_alloc : memref<!tpu.dma_semaphore, #tpu.memory_space<semaphore_mem>>
      %dma_start3A = arith.constant 0 : i32
      %dma_start3A_43 = arith.constant 0 : i32
      %dma_start3A_44 = tpu.memref_slice %arg8[%dma_start3A, %dma_start3A_43] : memref<128x128xf32, #tpu.memory_space<vmem>> -> memref<125x128xf32, #tpu.memory_space<vmem>>
      %dma_start3A_45 = arith.constant 0 : i32
      %dma_start3A_46 = tpu.memref_slice %arg10[%add3A_11, %dma_start3A_45] : memref<10008x128xf32, #tpu.memory_space<vmem_shared>> -> memref<125x128xf32, #tpu.memory_space<vmem_shared>>
      %dma_start3A_47 = arith.constant 0 : i32
      %dma_start3A_48 = tpu.memref_slice %arg10[%add3A_11, %dma_start3A_47] : memref<10008x128xf32, #tpu.memory_space<vmem_shared>> -> memref<125x128xf32, #tpu.memory_space<vmem_shared>>
      %dma_start3A_49 = arith.constant 0 : i32
      %dma_start3A_50 = arith.constant 0 : i32
      %dma_start3A_51 = tpu.memref_slice %arg8[%dma_start3A_49, %dma_start3A_50] : memref<128x128xf32, #tpu.memory_space<vmem>> -> memref<125x128xf32, #tpu.memory_space<vmem>>
      tpu.enqueue_dma source(%dma_start3A_51 : memref<125x128xf32, #tpu.memory_space<vmem>>) target(%dma_start3A_48 : memref<125x128xf32, #tpu.memory_space<vmem_shared>>) target_semaphore(%run_scoped3A : memref<!tpu.dma_semaphore, #tpu.memory_space<semaphore_mem>>)
      %dma_wait3A = arith.constant 0 : i32
      %dma_wait3A_52 = arith.constant 0 : i32
      %dma_wait3A_53 = tpu.memref_slice %arg8[%dma_wait3A, %dma_wait3A_52] : memref<128x128xf32, #tpu.memory_space<vmem>> -> memref<125x128xf32, #tpu.memory_space<vmem>>
      %dma_wait3A_54 = arith.constant 0 : i32
      %dma_wait3A_55 = tpu.memref_slice %arg10[%add3A_11, %dma_wait3A_54] : memref<10008x128xf32, #tpu.memory_space<vmem_shared>> -> memref<125x128xf32, #tpu.memory_space<vmem_shared>>
      %dma_wait3A_56 = arith.constant 0 : i32
      %dma_wait3A_57 = tpu.memref_slice %arg10[%add3A_11, %dma_wait3A_56] : memref<10008x128xf32, #tpu.memory_space<vmem_shared>> -> memref<125x128xf32, #tpu.memory_space<vmem_shared>>
      %dma_wait3A_58 = arith.constant 0 : i32
      %dma_wait3A_59 = arith.constant 0 : i32
      %dma_wait3A_60 = tpu.memref_slice %arg8[%dma_wait3A_58, %dma_wait3A_59] : memref<128x128xf32, #tpu.memory_space<vmem>> -> memref<125x128xf32, #tpu.memory_space<vmem>>
      tpu.wait_dma2 semaphore(%run_scoped3A : memref<!tpu.dma_semaphore, #tpu.memory_space<semaphore_mem>>) src(%dma_wait3A_60 : memref<125x128xf32, #tpu.memory_space<vmem>>) dst(%dma_wait3A_57 : memref<125x128xf32, #tpu.memory_space<vmem_shared>>)
      tpu.yield
    }) : () -> ()
    %add3A_12 = arith.constant 375 : i32
    %add3A_13 = arith.addi %mul3A_6, %add3A_12 : i32
    "tpu.region"() ({
      %run_scoped3A = tpu.sem_alloc : memref<!tpu.dma_semaphore, #tpu.memory_space<semaphore_mem>>
      %dma_start3A = arith.constant 0 : i32
      %dma_start3A_43 = arith.constant 0 : i32
      %dma_start3A_44 = tpu.memref_slice %arg8[%dma_start3A, %dma_start3A_43] : memref<128x128xf32, #tpu.memory_space<vmem>> -> memref<125x128xf32, #tpu.memory_space<vmem>>
      %dma_start3A_45 = arith.constant 0 : i32
      %dma_start3A_46 = tpu.memref_slice %arg10[%add3A_13, %dma_start3A_45] : memref<10008x128xf32, #tpu.memory_space<vmem_shared>> -> memref<125x128xf32, #tpu.memory_space<vmem_shared>>
      %dma_start3A_47 = arith.constant 0 : i32
      %dma_start3A_48 = tpu.memref_slice %arg10[%add3A_13, %dma_start3A_47] : memref<10008x128xf32, #tpu.memory_space<vmem_shared>> -> memref<125x128xf32, #tpu.memory_space<vmem_shared>>
      %dma_start3A_49 = arith.constant 0 : i32
      %dma_start3A_50 = arith.constant 0 : i32
      %dma_start3A_51 = tpu.memref_slice %arg8[%dma_start3A_49, %dma_start3A_50] : memref<128x128xf32, #tpu.memory_space<vmem>> -> memref<125x128xf32, #tpu.memory_space<vmem>>
      tpu.enqueue_dma source(%dma_start3A_51 : memref<125x128xf32, #tpu.memory_space<vmem>>) target(%dma_start3A_48 : memref<125x128xf32, #tpu.memory_space<vmem_shared>>) target_semaphore(%run_scoped3A : memref<!tpu.dma_semaphore, #tpu.memory_space<semaphore_mem>>)
      %dma_wait3A = arith.constant 0 : i32
      %dma_wait3A_52 = arith.constant 0 : i32
      %dma_wait3A_53 = tpu.memref_slice %arg8[%dma_wait3A, %dma_wait3A_52] : memref<128x128xf32, #tpu.memory_space<vmem>> -> memref<125x128xf32, #tpu.memory_space<vmem>>
      %dma_wait3A_54 = arith.constant 0 : i32
      %dma_wait3A_55 = tpu.memref_slice %arg10[%add3A_13, %dma_wait3A_54] : memref<10008x128xf32, #tpu.memory_space<vmem_shared>> -> memref<125x128xf32, #tpu.memory_space<vmem_shared>>
      %dma_wait3A_56 = arith.constant 0 : i32
      %dma_wait3A_57 = tpu.memref_slice %arg10[%add3A_13, %dma_wait3A_56] : memref<10008x128xf32, #tpu.memory_space<vmem_shared>> -> memref<125x128xf32, #tpu.memory_space<vmem_shared>>
      %dma_wait3A_58 = arith.constant 0 : i32
      %dma_wait3A_59 = arith.constant 0 : i32
      %dma_wait3A_60 = tpu.memref_slice %arg8[%dma_wait3A_58, %dma_wait3A_59] : memref<128x128xf32, #tpu.memory_space<vmem>> -> memref<125x128xf32, #tpu.memory_space<vmem>>
      tpu.wait_dma2 semaphore(%run_scoped3A : memref<!tpu.dma_semaphore, #tpu.memory_space<semaphore_mem>>) src(%dma_wait3A_60 : memref<125x128xf32, #tpu.memory_space<vmem>>) dst(%dma_wait3A_57 : memref<125x128xf32, #tpu.memory_space<vmem_shared>>)
      tpu.yield
    }) : () -> ()
    %add3A_14 = arith.constant 500 : i32
    %add3A_15 = arith.addi %mul3A_6, %add3A_14 : i32
    "tpu.region"() ({
      %run_scoped3A = tpu.sem_alloc : memref<!tpu.dma_semaphore, #tpu.memory_space<semaphore_mem>>
      %dma_start3A = arith.constant 0 : i32
      %dma_start3A_43 = arith.constant 0 : i32
      %dma_start3A_44 = tpu.memref_slice %arg8[%dma_start3A, %dma_start3A_43] : memref<128x128xf32, #tpu.memory_space<vmem>> -> memref<125x128xf32, #tpu.memory_space<vmem>>
      %dma_start3A_45 = arith.constant 0 : i32
      %dma_start3A_46 = tpu.memref_slice %arg10[%add3A_15, %dma_start3A_45] : memref<10008x128xf32, #tpu.memory_space<vmem_shared>> -> memref<125x128xf32, #tpu.memory_space<vmem_shared>>
      %dma_start3A_47 = arith.constant 0 : i32
      %dma_start3A_48 = tpu.memref_slice %arg10[%add3A_15, %dma_start3A_47] : memref<10008x128xf32, #tpu.memory_space<vmem_shared>> -> memref<125x128xf32, #tpu.memory_space<vmem_shared>>
      %dma_start3A_49 = arith.constant 0 : i32
      %dma_start3A_50 = arith.constant 0 : i32
      %dma_start3A_51 = tpu.memref_slice %arg8[%dma_start3A_49, %dma_start3A_50] : memref<128x128xf32, #tpu.memory_space<vmem>> -> memref<125x128xf32, #tpu.memory_space<vmem>>
      tpu.enqueue_dma source(%dma_start3A_51 : memref<125x128xf32, #tpu.memory_space<vmem>>) target(%dma_start3A_48 : memref<125x128xf32, #tpu.memory_space<vmem_shared>>) target_semaphore(%run_scoped3A : memref<!tpu.dma_semaphore, #tpu.memory_space<semaphore_mem>>)
      %dma_wait3A = arith.constant 0 : i32
      %dma_wait3A_52 = arith.constant 0 : i32
      %dma_wait3A_53 = tpu.memref_slice %arg8[%dma_wait3A, %dma_wait3A_52] : memref<128x128xf32, #tpu.memory_space<vmem>> -> memref<125x128xf32, #tpu.memory_space<vmem>>
      %dma_wait3A_54 = arith.constant 0 : i32
      %dma_wait3A_55 = tpu.memref_slice %arg10[%add3A_15, %dma_wait3A_54] : memref<10008x128xf32, #tpu.memory_space<vmem_shared>> -> memref<125x128xf32, #tpu.memory_space<vmem_shared>>
      %dma_wait3A_56 = arith.constant 0 : i32
      %dma_wait3A_57 = tpu.memref_slice %arg10[%add3A_15, %dma_wait3A_56] : memref<10008x128xf32, #tpu.memory_space<vmem_shared>> -> memref<125x128xf32, #tpu.memory_space<vmem_shared>>
      %dma_wait3A_58 = arith.constant 0 : i32
      %dma_wait3A_59 = arith.constant 0 : i32
      %dma_wait3A_60 = tpu.memref_slice %arg8[%dma_wait3A_58, %dma_wait3A_59] : memref<128x128xf32, #tpu.memory_space<vmem>> -> memref<125x128xf32, #tpu.memory_space<vmem>>
      tpu.wait_dma2 semaphore(%run_scoped3A : memref<!tpu.dma_semaphore, #tpu.memory_space<semaphore_mem>>) src(%dma_wait3A_60 : memref<125x128xf32, #tpu.memory_space<vmem>>) dst(%dma_wait3A_57 : memref<125x128xf32, #tpu.memory_space<vmem_shared>>)
      tpu.yield
    }) : () -> ()
    %barrier3A = arith.constant 0 : index
    tpu.barrier barrier_id(%barrier3A)
    %scan3A_16 = arith.constant 0 : i32
    %scan3A_17 = arith.constant 0 : i32
    %scan3A_18 = arith.constant 2 : i32
    %scan3A_19 = arith.addi %scan3A_17, %scan3A_18 : i32
    %scan3A_20 = arith.constant 1 : i32
    scf.for %scan3A_43 = %scan3A_17 to %scan3A_19 step %scan3A_20  : i32 {
      %mul3A_44 = arith.constant 40 : i32
      %mul3A_45 = arith.muli %scan3A_43, %mul3A_44 : i32
      "tpu.region"() ({
        %run_scoped3A = tpu.sem_alloc : memref<!tpu.dma_semaphore, #tpu.memory_space<semaphore_mem>>
        %dma_start3A_60 = arith.constant 0 : i32
        %dma_start3A_61 = tpu.memref_slice %arg2[%arg0, %arg1, %mul3A_45, %dma_start3A_60] : memref<2x16x80x128xi32, #tpu.memory_space<hbm>> -> memref<1x1x40x128xi32, #tpu.memory_space<hbm>>
        %dma_start3A_62 = tpu.memref_squeeze %dma_start3A_61 : memref<1x1x40x128xi32, #tpu.memory_space<hbm>> -> memref<40x128xi32, #tpu.memory_space<hbm>>
        %dma_start3A_63 = arith.constant 0 : i32
        %dma_start3A_64 = tpu.memref_slice %arg2[%arg0, %arg1, %mul3A_45, %dma_start3A_63] : memref<2x16x80x128xi32, #tpu.memory_space<hbm>> -> memref<1x1x40x128xi32, #tpu.memory_space<hbm>>
        %dma_start3A_65 = tpu.memref_squeeze %dma_start3A_64 : memref<1x1x40x128xi32, #tpu.memory_space<hbm>> -> memref<40x128xi32, #tpu.memory_space<hbm>>
        tpu.enqueue_dma source(%dma_start3A_65 : memref<40x128xi32, #tpu.memory_space<hbm>>) target(%arg6 : memref<40x128xi32, #tpu.memory_space<vmem>>) target_semaphore(%run_scoped3A : memref<!tpu.dma_semaphore, #tpu.memory_space<semaphore_mem>>)
        %dma_wait3A = arith.constant 0 : i32
        %dma_wait3A_66 = tpu.memref_slice %arg2[%arg0, %arg1, %mul3A_45, %dma_wait3A] : memref<2x16x80x128xi32, #tpu.memory_space<hbm>> -> memref<1x1x40x128xi32, #tpu.memory_space<hbm>>
        %dma_wait3A_67 = tpu.memref_squeeze %dma_wait3A_66 : memref<1x1x40x128xi32, #tpu.memory_space<hbm>> -> memref<40x128xi32, #tpu.memory_space<hbm>>
        %dma_wait3A_68 = arith.constant 0 : i32
        %dma_wait3A_69 = tpu.memref_slice %arg2[%arg0, %arg1, %mul3A_45, %dma_wait3A_68] : memref<2x16x80x128xi32, #tpu.memory_space<hbm>> -> memref<1x1x40x128xi32, #tpu.memory_space<hbm>>
        %dma_wait3A_70 = tpu.memref_squeeze %dma_wait3A_69 : memref<1x1x40x128xi32, #tpu.memory_space<hbm>> -> memref<40x128xi32, #tpu.memory_space<hbm>>
        tpu.wait_dma2 semaphore(%run_scoped3A : memref<!tpu.dma_semaphore, #tpu.memory_space<semaphore_mem>>) src(%dma_wait3A_70 : memref<40x128xi32, #tpu.memory_space<hbm>>) dst(%arg6 : memref<40x128xi32, #tpu.memory_space<vmem>>)
        tpu.yield
      }) : () -> ()
      %mul3A_46 = arith.constant 40 : i32
      %mul3A_47 = arith.muli %scan3A_43, %mul3A_46 : i32
      "tpu.region"() ({
        %run_scoped3A = tpu.sem_alloc : memref<!tpu.dma_semaphore, #tpu.memory_space<semaphore_mem>>
        %dma_start3A_60 = arith.constant 0 : i32
        %dma_start3A_61 = tpu.memref_slice %arg3[%arg1, %mul3A_47, %dma_start3A_60] : memref<16x80x128xi32, #tpu.memory_space<hbm>> -> memref<1x40x128xi32, #tpu.memory_space<hbm>>
        %dma_start3A_62 = tpu.memref_squeeze %dma_start3A_61 : memref<1x40x128xi32, #tpu.memory_space<hbm>> -> memref<40x128xi32, #tpu.memory_space<hbm>>
        %dma_start3A_63 = arith.constant 0 : i32
        %dma_start3A_64 = tpu.memref_slice %arg3[%arg1, %mul3A_47, %dma_start3A_63] : memref<16x80x128xi32, #tpu.memory_space<hbm>> -> memref<1x40x128xi32, #tpu.memory_space<hbm>>
        %dma_start3A_65 = tpu.memref_squeeze %dma_start3A_64 : memref<1x40x128xi32, #tpu.memory_space<hbm>> -> memref<40x128xi32, #tpu.memory_space<hbm>>
        tpu.enqueue_dma source(%dma_start3A_65 : memref<40x128xi32, #tpu.memory_space<hbm>>) target(%arg7 : memref<40x128xi32, #tpu.memory_space<vmem>>) target_semaphore(%run_scoped3A : memref<!tpu.dma_semaphore, #tpu.memory_space<semaphore_mem>>)
        %dma_wait3A = arith.constant 0 : i32
        %dma_wait3A_66 = tpu.memref_slice %arg3[%arg1, %mul3A_47, %dma_wait3A] : memref<16x80x128xi32, #tpu.memory_space<hbm>> -> memref<1x40x128xi32, #tpu.memory_space<hbm>>
        %dma_wait3A_67 = tpu.memref_squeeze %dma_wait3A_66 : memref<1x40x128xi32, #tpu.memory_space<hbm>> -> memref<40x128xi32, #tpu.memory_space<hbm>>
        %dma_wait3A_68 = arith.constant 0 : i32
        %dma_wait3A_69 = tpu.memref_slice %arg3[%arg1, %mul3A_47, %dma_wait3A_68] : memref<16x80x128xi32, #tpu.memory_space<hbm>> -> memref<1x40x128xi32, #tpu.memory_space<hbm>>
        %dma_wait3A_70 = tpu.memref_squeeze %dma_wait3A_69 : memref<1x40x128xi32, #tpu.memory_space<hbm>> -> memref<40x128xi32, #tpu.memory_space<hbm>>
        tpu.wait_dma2 semaphore(%run_scoped3A : memref<!tpu.dma_semaphore, #tpu.memory_space<semaphore_mem>>) src(%dma_wait3A_70 : memref<40x128xi32, #tpu.memory_space<hbm>>) dst(%arg7 : memref<40x128xi32, #tpu.memory_space<vmem>>)
        tpu.yield
      }) : () -> ()
      %dma_start3A = arith.constant 0 : i32
      %dma_start3A_48 = arith.constant 0 : i32
      %dma_start3A_49 = tpu.memref_slice %arg6[%dma_start3A, %dma_start3A_48] : memref<40x128xi32, #tpu.memory_space<vmem>> -> memref<1x128xi32, #tpu.memory_space<vmem>>
      %dma_start3A_50 = tpu.memref_squeeze %dma_start3A_49 : memref<1x128xi32, #tpu.memory_space<vmem>> -> memref<128xi32, #tpu.memory_space<vmem>>
      %dma_start3A_51 = arith.constant 0 : i32
      %dma_start3A_52 = arith.constant 0 : i32
      %dma_start3A_53 = tpu.memref_slice %arg4[%dma_start3A_51, %dma_start3A_52] : memref<20000x128xf32, #tpu.memory_space<hbm>> -> memref<20000x128xf32, #tpu.memory_space<hbm>>
      tpu.enqueue_indirect_dma source(%dma_start3A_53 : memref<20000x128xf32, #tpu.memory_space<hbm>>) target(%arg8 : memref<128x128xf32, #tpu.memory_space<vmem>>) offsets(%dma_start3A_50 : memref<128xi32, #tpu.memory_space<vmem>>) semaphore(%arg11 : memref<!tpu.dma_semaphore, #tpu.memory_space<semaphore_mem>>)
      %scan3A_54 = arith.constant 0 : i32
      %scan3A_55 = arith.constant 0 : i32
      %scan3A_56 = arith.constant 20 : i32
      %scan3A_57 = arith.addi %scan3A_55, %scan3A_56 : i32
      %scan3A_58 = arith.constant 1 : i32
      scf.for %scan3A_60 = %scan3A_55 to %scan3A_57 step %scan3A_58  : i32 {
        %mul3A_61 = arith.constant 2 : i32
        %mul3A_62 = arith.muli %mul3A_61, %scan3A_60 : i32
        %dma_wait3A = arith.constant 0 : i32
        %dma_wait3A_63 = tpu.memref_slice %arg6[%mul3A_62, %dma_wait3A] : memref<40x128xi32, #tpu.memory_space<vmem>> -> memref<1x128xi32, #tpu.memory_space<vmem>>
        %dma_wait3A_64 = tpu.memref_squeeze %dma_wait3A_63 : memref<1x128xi32, #tpu.memory_space<vmem>> -> memref<128xi32, #tpu.memory_space<vmem>>
        %dma_wait3A_65 = arith.constant 0 : i32
        %dma_wait3A_66 = arith.constant 0 : i32
        %dma_wait3A_67 = tpu.memref_slice %arg4[%dma_wait3A_65, %dma_wait3A_66] : memref<20000x128xf32, #tpu.memory_space<hbm>> -> memref<20000x128xf32, #tpu.memory_space<hbm>>
        tpu.wait_indirect_dma semaphore(%arg11 : memref<!tpu.dma_semaphore, #tpu.memory_space<semaphore_mem>>) src(%dma_wait3A_67 : memref<20000x128xf32, #tpu.memory_space<hbm>>) dst(%arg8 : memref<128x128xf32, #tpu.memory_space<vmem>>)
        %add3A_68 = arith.constant 1 : i32
        %add3A_69 = arith.addi %mul3A_62, %add3A_68 : i32
        %dma_start3A_70 = arith.constant 0 : i32
        %dma_start3A_71 = tpu.memref_slice %arg6[%add3A_69, %dma_start3A_70] : memref<40x128xi32, #tpu.memory_space<vmem>> -> memref<1x128xi32, #tpu.memory_space<vmem>>
        %dma_start3A_72 = tpu.memref_squeeze %dma_start3A_71 : memref<1x128xi32, #tpu.memory_space<vmem>> -> memref<128xi32, #tpu.memory_space<vmem>>
        %dma_start3A_73 = arith.constant 0 : i32
        %dma_start3A_74 = arith.constant 0 : i32
        %dma_start3A_75 = tpu.memref_slice %arg4[%dma_start3A_73, %dma_start3A_74] : memref<20000x128xf32, #tpu.memory_space<hbm>> -> memref<20000x128xf32, #tpu.memory_space<hbm>>
        tpu.enqueue_indirect_dma source(%dma_start3A_75 : memref<20000x128xf32, #tpu.memory_space<hbm>>) target(%arg9 : memref<128x128xf32, #tpu.memory_space<vmem>>) offsets(%dma_start3A_72 : memref<128xi32, #tpu.memory_space<vmem>>) semaphore(%arg12 : memref<!tpu.dma_semaphore, #tpu.memory_space<semaphore_mem>>)
        "tpu.region"() ({
          %run_scoped3A = tpu.sem_alloc : memref<!tpu.dma_semaphore, #tpu.memory_space<semaphore_mem>>
          %dma_start3A_88 = arith.constant 0 : i32
          %dma_start3A_89 = tpu.memref_slice %arg7[%mul3A_62, %dma_start3A_88] : memref<40x128xi32, #tpu.memory_space<vmem>> -> memref<1x128xi32, #tpu.memory_space<vmem>>
          %dma_start3A_90 = tpu.memref_squeeze %dma_start3A_89 : memref<1x128xi32, #tpu.memory_space<vmem>> -> memref<128xi32, #tpu.memory_space<vmem>>
          %dma_start3A_91 = arith.constant 0 : i32
          %dma_start3A_92 = arith.constant 0 : i32
          %dma_start3A_93 = tpu.memref_slice %arg10[%dma_start3A_91, %dma_start3A_92] : memref<10008x128xf32, #tpu.memory_space<vmem_shared>> -> memref<10008x128xf32, #tpu.memory_space<vmem_shared>>
          tpu.enqueue_indirect_dma source(%arg8 : memref<128x128xf32, #tpu.memory_space<vmem>>) target(%dma_start3A_93 : memref<10008x128xf32, #tpu.memory_space<vmem_shared>>) offsets(%dma_start3A_90 : memref<128xi32, #tpu.memory_space<vmem>>) semaphore(%run_scoped3A : memref<!tpu.dma_semaphore, #tpu.memory_space<semaphore_mem>>) {add = true}
          %dma_wait3A_94 = arith.constant 0 : i32
          %dma_wait3A_95 = tpu.memref_slice %arg7[%mul3A_62, %dma_wait3A_94] : memref<40x128xi32, #tpu.memory_space<vmem>> -> memref<1x128xi32, #tpu.memory_space<vmem>>
          %dma_wait3A_96 = tpu.memref_squeeze %dma_wait3A_95 : memref<1x128xi32, #tpu.memory_space<vmem>> -> memref<128xi32, #tpu.memory_space<vmem>>
          %dma_wait3A_97 = arith.constant 0 : i32
          %dma_wait3A_98 = arith.constant 0 : i32
          %dma_wait3A_99 = tpu.memref_slice %arg10[%dma_wait3A_97, %dma_wait3A_98] : memref<10008x128xf32, #tpu.memory_space<vmem_shared>> -> memref<10008x128xf32, #tpu.memory_space<vmem_shared>>
          tpu.wait_indirect_dma semaphore(%run_scoped3A : memref<!tpu.dma_semaphore, #tpu.memory_space<semaphore_mem>>) src(%arg8 : memref<128x128xf32, #tpu.memory_space<vmem>>) dst(%dma_wait3A_99 : memref<10008x128xf32, #tpu.memory_space<vmem_shared>>)
          tpu.yield
        }) : () -> ()
        %add3A_76 = arith.constant 1 : i32
        %add3A_77 = arith.addi %mul3A_62, %add3A_76 : i32
        %dma_wait3A_78 = arith.constant 0 : i32
        %dma_wait3A_79 = tpu.memref_slice %arg6[%add3A_77, %dma_wait3A_78] : memref<40x128xi32, #tpu.memory_space<vmem>> -> memref<1x128xi32, #tpu.memory_space<vmem>>
        %dma_wait3A_80 = tpu.memref_squeeze %dma_wait3A_79 : memref<1x128xi32, #tpu.memory_space<vmem>> -> memref<128xi32, #tpu.memory_space<vmem>>
        %dma_wait3A_81 = arith.constant 0 : i32
        %dma_wait3A_82 = arith.constant 0 : i32
        %dma_wait3A_83 = tpu.memref_slice %arg4[%dma_wait3A_81, %dma_wait3A_82] : memref<20000x128xf32, #tpu.memory_space<hbm>> -> memref<20000x128xf32, #tpu.memory_space<hbm>>
        tpu.wait_indirect_dma semaphore(%arg12 : memref<!tpu.dma_semaphore, #tpu.memory_space<semaphore_mem>>) src(%dma_wait3A_83 : memref<20000x128xf32, #tpu.memory_space<hbm>>) dst(%arg9 : memref<128x128xf32, #tpu.memory_space<vmem>>)
        %lt3A = arith.constant 19 : i32
        %lt3A_84 = arith.cmpi slt, %scan3A_60, %lt3A : i32
        %convert_element_type3A = arith.extui %lt3A_84 : i1 to i32
        %cond3A = arith.constant 0 : i32
        %cond3A_85 = arith.cmpi ne, %convert_element_type3A, %cond3A : i32
        scf.if %cond3A_85 {
          %add3A_88 = arith.constant 2 : i32
          %add3A_89 = arith.addi %mul3A_62, %add3A_88 : i32
          %dma_start3A_90 = arith.constant 0 : i32
          %dma_start3A_91 = tpu.memref_slice %arg6[%add3A_89, %dma_start3A_90] : memref<40x128xi32, #tpu.memory_space<vmem>> -> memref<1x128xi32, #tpu.memory_space<vmem>>
          %dma_start3A_92 = tpu.memref_squeeze %dma_start3A_91 : memref<1x128xi32, #tpu.memory_space<vmem>> -> memref<128xi32, #tpu.memory_space<vmem>>
          %dma_start3A_93 = arith.constant 0 : i32
          %dma_start3A_94 = arith.constant 0 : i32
          %dma_start3A_95 = tpu.memref_slice %arg4[%dma_start3A_93, %dma_start3A_94] : memref<20000x128xf32, #tpu.memory_space<hbm>> -> memref<20000x128xf32, #tpu.memory_space<hbm>>
          tpu.enqueue_indirect_dma source(%dma_start3A_95 : memref<20000x128xf32, #tpu.memory_space<hbm>>) target(%arg8 : memref<128x128xf32, #tpu.memory_space<vmem>>) offsets(%dma_start3A_92 : memref<128xi32, #tpu.memory_space<vmem>>) semaphore(%arg11 : memref<!tpu.dma_semaphore, #tpu.memory_space<semaphore_mem>>)
        } else {
        }
        %add3A_86 = arith.constant 1 : i32
        %add3A_87 = arith.addi %mul3A_62, %add3A_86 : i32
        "tpu.region"() ({
          %run_scoped3A = tpu.sem_alloc : memref<!tpu.dma_semaphore, #tpu.memory_space<semaphore_mem>>
          %dma_start3A_88 = arith.constant 0 : i32
          %dma_start3A_89 = tpu.memref_slice %arg7[%add3A_87, %dma_start3A_88] : memref<40x128xi32, #tpu.memory_space<vmem>> -> memref<1x128xi32, #tpu.memory_space<vmem>>
          %dma_start3A_90 = tpu.memref_squeeze %dma_start3A_89 : memref<1x128xi32, #tpu.memory_space<vmem>> -> memref<128xi32, #tpu.memory_space<vmem>>
          %dma_start3A_91 = arith.constant 0 : i32
          %dma_start3A_92 = arith.constant 0 : i32
          %dma_start3A_93 = tpu.memref_slice %arg10[%dma_start3A_91, %dma_start3A_92] : memref<10008x128xf32, #tpu.memory_space<vmem_shared>> -> memref<10008x128xf32, #tpu.memory_space<vmem_shared>>
          tpu.enqueue_indirect_dma source(%arg9 : memref<128x128xf32, #tpu.memory_space<vmem>>) target(%dma_start3A_93 : memref<10008x128xf32, #tpu.memory_space<vmem_shared>>) offsets(%dma_start3A_90 : memref<128xi32, #tpu.memory_space<vmem>>) semaphore(%run_scoped3A : memref<!tpu.dma_semaphore, #tpu.memory_space<semaphore_mem>>) {add = true}
          %dma_wait3A_94 = arith.constant 0 : i32
          %dma_wait3A_95 = tpu.memref_slice %arg7[%add3A_87, %dma_wait3A_94] : memref<40x128xi32, #tpu.memory_space<vmem>> -> memref<1x128xi32, #tpu.memory_space<vmem>>
          %dma_wait3A_96 = tpu.memref_squeeze %dma_wait3A_95 : memref<1x128xi32, #tpu.memory_space<vmem>> -> memref<128xi32, #tpu.memory_space<vmem>>
          %dma_wait3A_97 = arith.constant 0 : i32
          %dma_wait3A_98 = arith.constant 0 : i32
          %dma_wait3A_99 = tpu.memref_slice %arg10[%dma_wait3A_97, %dma_wait3A_98] : memref<10008x128xf32, #tpu.memory_space<vmem_shared>> -> memref<10008x128xf32, #tpu.memory_space<vmem_shared>>
          tpu.wait_indirect_dma semaphore(%run_scoped3A : memref<!tpu.dma_semaphore, #tpu.memory_space<semaphore_mem>>) src(%arg9 : memref<128x128xf32, #tpu.memory_space<vmem>>) dst(%dma_wait3A_99 : memref<10008x128xf32, #tpu.memory_space<vmem_shared>>)
          tpu.yield
        }) : () -> ()
      }
      %scan3A_59 = arith.constant 20 : i32
    }
    %scan3A_21 = arith.constant 2 : i32
    %barrier3A_22 = arith.constant 0 : index
    tpu.barrier barrier_id(%barrier3A_22)
    %mul3A_23 = arith.constant 625 : i32
    %mul3A_24 = arith.muli %arg1, %mul3A_23 : i32
    %jit3A = arith.constant 8 : i32
    %div3A = arith.divsi %mul3A_24, %jit3A : i32
    %sign3A = arith.constant 0 : i32
    %sign3A_25 = arith.cmpi sgt, %mul3A_24, %sign3A : i32
    %sign3A_26 = arith.extui %sign3A_25 : i1 to i32
    %sign3A_27 = arith.constant 0 : i32
    %sign3A_28 = arith.cmpi slt, %mul3A_24, %sign3A_27 : i32
    %sign3A_29 = arith.extui %sign3A_28 : i1 to i32
    %sign3A_30 = arith.subi %sign3A_26, %sign3A_29 : i32
    %sign3A_31 = arith.constant 0 : i32
    %sign3A_32 = arith.cmpi sgt, %jit3A, %sign3A_31 : i32
    %sign3A_33 = arith.extui %sign3A_32 : i1 to i32
    %sign3A_34 = arith.constant 0 : i32
    %sign3A_35 = arith.cmpi slt, %jit3A, %sign3A_34 : i32
    %sign3A_36 = arith.extui %sign3A_35 : i1 to i32
    %sign3A_37 = arith.subi %sign3A_33, %sign3A_36 : i32
    %ne3A = arith.cmpi ne, %sign3A_30, %sign3A_37 : i32
    %rem3A = arith.remsi %mul3A_24, %jit3A : i32
    %ne3A_38 = arith.constant 0 : i32
    %ne3A_39 = arith.cmpi ne, %rem3A, %ne3A_38 : i32
    %and3A = arith.andi %ne3A, %ne3A_39 : i1
    %sub3A = arith.constant 1 : i32
    %sub3A_40 = arith.subi %div3A, %sub3A : i32
    %select_n3A = arith.select %and3A, %sub3A_40, %div3A : i32
    %mul3A_41 = arith.constant 8 : i32
    %mul3A_42 = arith.muli %select_n3A, %mul3A_41 : i32
    %multiple_of3A = tpu.assume_multiple %mul3A_42, 8 : i32
    "tpu.region"() ({
      %run_scoped3A = tpu.sem_alloc : memref<!tpu.dma_semaphore, #tpu.memory_space<semaphore_mem>>
      %dma_start3A = arith.constant 0 : i32
      %dma_start3A_43 = tpu.memref_slice %arg5[%arg0, %multiple_of3A, %dma_start3A] : memref<2x10000x128xf32, #tpu.memory_space<hbm>> -> memref<1x632x128xf32, #tpu.memory_space<hbm>>
      %dma_start3A_44 = tpu.memref_squeeze %dma_start3A_43 : memref<1x632x128xf32, #tpu.memory_space<hbm>> -> memref<632x128xf32, #tpu.memory_space<hbm>>
      %dma_start3A_45 = arith.constant 0 : i32
      %dma_start3A_46 = tpu.memref_slice %arg10[%multiple_of3A, %dma_start3A_45] : memref<10008x128xf32, #tpu.memory_space<vmem_shared>> -> memref<632x128xf32, #tpu.memory_space<vmem_shared>>
      tpu.enqueue_dma source(%dma_start3A_46 : memref<632x128xf32, #tpu.memory_space<vmem_shared>>) target(%dma_start3A_44 : memref<632x128xf32, #tpu.memory_space<hbm>>) target_semaphore(%run_scoped3A : memref<!tpu.dma_semaphore, #tpu.memory_space<semaphore_mem>>)
      %dma_wait3A = arith.constant 0 : i32
      %dma_wait3A_47 = tpu.memref_slice %arg5[%arg0, %multiple_of3A, %dma_wait3A] : memref<2x10000x128xf32, #tpu.memory_space<hbm>> -> memref<1x632x128xf32, #tpu.memory_space<hbm>>
      %dma_wait3A_48 = tpu.memref_squeeze %dma_wait3A_47 : memref<1x632x128xf32, #tpu.memory_space<hbm>> -> memref<632x128xf32, #tpu.memory_space<hbm>>
      %dma_wait3A_49 = arith.constant 0 : i32
      %dma_wait3A_50 = tpu.memref_slice %arg10[%multiple_of3A, %dma_wait3A_49] : memref<10008x128xf32, #tpu.memory_space<vmem_shared>> -> memref<632x128xf32, #tpu.memory_space<vmem_shared>>
      tpu.wait_dma2 semaphore(%run_scoped3A : memref<!tpu.dma_semaphore, #tpu.memory_space<semaphore_mem>>) src(%dma_wait3A_50 : memref<632x128xf32, #tpu.memory_space<vmem_shared>>) dst(%dma_wait3A_48 : memref<632x128xf32, #tpu.memory_space<hbm>>)
      tpu.yield
    }) : () -> ()
    return
  }
}

module attributes {stable_mosaic.version = 14 : i64} {
  func.func @_tc1_body(%arg0: i32, %arg1: memref<1x32x400xf32, #tpu.memory_space<vmem>>, %arg2: memref<400x256xf32, #tpu.memory_space<vmem>>, %arg3: memref<256x256xf32, #tpu.memory_space<vmem>>, %arg4: memref<2x400x128xf32, #tpu.memory_space<vmem>>) attributes {dimension_semantics = [#tpu.dimension_semantics<arbitrary>], iteration_bounds = array<i64: 25>, scalar_prefetch = 0 : i64, scratch_operands = 0 : i64, tpu.core_type = #tpu.core_type<tc>, window_params = [{transform_indices = @transform_0, window_bounds = array<i64: 1, 32, 400>}, {transform_indices = @transform_1, window_bounds = array<i64: 400, 256>}, {pipeline_mode = #tpu.pipeline_mode<synchronous>, transform_indices = @transform_2, window_bounds = array<i64: 256, 256>}, {transform_indices = @transform_3, window_bounds = array<i64: 2, 400, 128>}]} {
    %get3A = arith.constant 0 : index
    %get3A_0 = arith.constant 0 : index
    %get3A_1 = arith.constant 0 : index
    %get3A_2 = vector.load %arg1[%get3A, %get3A_0, %get3A_1] : memref<1x32x400xf32, #tpu.memory_space<vmem>>, vector<1x32x400xf32>
    %get3A_3 = vector.shape_cast %get3A_2 : vector<1x32x400xf32> to vector<32x400xf32>
    %reduce_sum3A = arith.constant dense<0.000000e+00> : vector<400xf32>
    %reduce_sum3A_4 = vector.multi_reduction <add>, %get3A_3, %reduce_sum3A [0] : vector<32x400xf32> to vector<400xf32>
    %add3A = arith.constant 1.000000e+00 : f32
    %add3A_5 = vector.broadcast %add3A : f32 to vector<400xf32>
    %add3A_6 = arith.addf %reduce_sum3A_4, %add3A_5 : vector<400xf32>
    %rsqrt3A = math.rsqrt %add3A_6 : vector<400xf32>
    %broadcast_in_dim3A = vector.shape_cast %rsqrt3A : vector<400xf32> to vector<1x400xf32>
    %transpose3A = tpu.transpose %broadcast_in_dim3A, [1, 0] : vector<1x400xf32> -> vector<400x1xf32>
    %get3A_7 = arith.constant 0 : index
    %get3A_8 = arith.constant 0 : index
    %get3A_9 = vector.load %arg2[%get3A_7, %get3A_8] : memref<400x256xf32, #tpu.memory_space<vmem>>, vector<400x256xf32>
    %get3A_10 = arith.constant 0 : index
    %get3A_11 = arith.constant 0 : index
    %get3A_12 = vector.load %arg3[%get3A_10, %get3A_11] : memref<256x256xf32, #tpu.memory_space<vmem>>, vector<256x256xf32>
    %dot_general3A = arith.constant dense<0.000000e+00> : vector<400x256xf32>
    %dot_general3A_13 = tpu.matmul %get3A_9, %get3A_12, %dot_general3A {dimension_numbers = #tpu.dot_dimension_numbers<[1], [0], [0], [1], [0, 0, 1, 1], [], []>, transpose_lhs_hint = false} : vector<400x256xf32>, vector<256x256xf32>, vector<400x256xf32> -> vector<400x256xf32>
    %mul3A = vector.broadcast %transpose3A : vector<400x1xf32> to vector<400x256xf32>
    %mul3A_14 = arith.mulf %dot_general3A_13, %mul3A : vector<400x256xf32>
    %slice3A = vector.extract_strided_slice %mul3A_14 {offsets = [0, 0], sizes = [400, 128], strides = [1, 1]} : vector<400x256xf32> to vector<400x128xf32>
    %swap3A = arith.constant 0 : index
    %swap3A_15 = arith.constant 0 : index
    %swap3A_16 = arith.constant 0 : index
    %swap3A_17 = vector.load %arg4[%swap3A, %swap3A_15, %swap3A_16] : memref<2x400x128xf32, #tpu.memory_space<vmem>>, vector<1x400x128xf32>
    %swap3A_18 = vector.shape_cast %swap3A_17 : vector<1x400x128xf32> to vector<400x128xf32>
    %swap3A_19 = vector.shape_cast %slice3A : vector<400x128xf32> to vector<1x400x128xf32>
    tpu.vector_store %arg4[%swap3A, %swap3A_15, %swap3A_16], %swap3A_19 {strides = array<i32>} : memref<2x400x128xf32, #tpu.memory_space<vmem>>, vector<1x400x128xf32>,
    %slice3A_20 = vector.extract_strided_slice %mul3A_14 {offsets = [0, 128], sizes = [400, 128], strides = [1, 1]} : vector<400x256xf32> to vector<400x128xf32>
    %swap3A_21 = arith.constant 1 : index
    %swap3A_22 = arith.constant 0 : index
    %swap3A_23 = arith.constant 0 : index
    %swap3A_24 = vector.load %arg4[%swap3A_21, %swap3A_22, %swap3A_23] : memref<2x400x128xf32, #tpu.memory_space<vmem>>, vector<1x400x128xf32>
    %swap3A_25 = vector.shape_cast %swap3A_24 : vector<1x400x128xf32> to vector<400x128xf32>
    %swap3A_26 = vector.shape_cast %slice3A_20 : vector<400x128xf32> to vector<1x400x128xf32>
    tpu.vector_store %arg4[%swap3A_21, %swap3A_22, %swap3A_23], %swap3A_26 {strides = array<i32>} : memref<2x400x128xf32, #tpu.memory_space<vmem>>, vector<1x400x128xf32>,
    return
  }
  func.func @transform_0(%arg0: i32) -> (i32, i32, i32) {
    %c0_i32 = arith.constant 0 : i32
    %c0_i32_0 = arith.constant 0 : i32
    %c0_i32_1 = arith.constant 0 : i32
    return %arg0, %c0_i32, %c0_i32_0 : i32, i32, i32
  }
  func.func @transform_1(%arg0: i32) -> (i32, i32) {
    %c0_i32 = arith.constant 0 : i32
    %c0_i32_0 = arith.constant 0 : i32
    return %arg0, %c0_i32 : i32, i32
  }
  func.func @transform_2(%arg0: i32) -> (i32, i32) {
    %c0_i32 = arith.constant 0 : i32
    %c0_i32_0 = arith.constant 0 : i32
    %c0_i32_1 = arith.constant 0 : i32
    return %c0_i32, %c0_i32_0 : i32, i32
  }
  func.func @transform_3(%arg0: i32) -> (i32, i32, i32) {
    %c0_i32 = arith.constant 0 : i32
    %c0_i32_0 = arith.constant 0 : i32
    %c0_i32_1 = arith.constant 0 : i32
    return %c0_i32, %arg0, %c0_i32_0 : i32, i32, i32
  }
}

module attributes {stable_mosaic.version = 14 : i64} {
  func.func @_tc2_body(%arg0: i32, %arg1: memref<1x32x400xf32, #tpu.memory_space<vmem>>, %arg2: memref<2x400x128xf32, #tpu.memory_space<vmem>>, %arg3: memref<2x400x128xf32, #tpu.memory_space<vmem>>, %arg4: memref<1x256xf32, #tpu.memory_space<vmem>>, %arg5: memref<256x256xf32, #tpu.memory_space<vmem>>, %arg6: memref<2x400x128xf32, #tpu.memory_space<vmem>>) attributes {dimension_semantics = [#tpu.dimension_semantics<arbitrary>], iteration_bounds = array<i64: 25>, scalar_prefetch = 0 : i64, scratch_operands = 0 : i64, tpu.core_type = #tpu.core_type<tc>, window_params = [{transform_indices = @transform_0, window_bounds = array<i64: 1, 32, 400>}, {transform_indices = @transform_1, window_bounds = array<i64: 2, 400, 128>}, {transform_indices = @transform_2, window_bounds = array<i64: 2, 400, 128>}, {pipeline_mode = #tpu.pipeline_mode<synchronous>, transform_indices = @transform_3, window_bounds = array<i64: 1, 256>}, {pipeline_mode = #tpu.pipeline_mode<synchronous>, transform_indices = @transform_4, window_bounds = array<i64: 256, 256>}, {transform_indices = @transform_5, window_bounds = array<i64: 2, 400, 128>}]} {
    %get3A = arith.constant 0 : index
    %get3A_0 = arith.constant 0 : index
    %get3A_1 = arith.constant 0 : index
    %get3A_2 = vector.load %arg1[%get3A, %get3A_0, %get3A_1] : memref<1x32x400xf32, #tpu.memory_space<vmem>>, vector<1x32x400xf32>
    %get3A_3 = vector.shape_cast %get3A_2 : vector<1x32x400xf32> to vector<32x400xf32>
    %reduce_sum3A = arith.constant dense<0.000000e+00> : vector<400xf32>
    %reduce_sum3A_4 = vector.multi_reduction <add>, %get3A_3, %reduce_sum3A [0] : vector<32x400xf32> to vector<400xf32>
    %add3A = arith.constant 1.000000e+00 : f32
    %add3A_5 = vector.broadcast %add3A : f32 to vector<400xf32>
    %add3A_6 = arith.addf %reduce_sum3A_4, %add3A_5 : vector<400xf32>
    %rsqrt3A = math.rsqrt %add3A_6 : vector<400xf32>
    %broadcast_in_dim3A = vector.shape_cast %rsqrt3A : vector<400xf32> to vector<1x400xf32>
    %transpose3A = tpu.transpose %broadcast_in_dim3A, [1, 0] : vector<1x400xf32> -> vector<400x1xf32>
    %get3A_7 = arith.constant 0 : index
    %get3A_8 = arith.constant 0 : index
    %get3A_9 = arith.constant 0 : index
    %get3A_10 = vector.load %arg2[%get3A_7, %get3A_8, %get3A_9] : memref<2x400x128xf32, #tpu.memory_space<vmem>>, vector<1x400x128xf32>
    %get3A_11 = vector.shape_cast %get3A_10 : vector<1x400x128xf32> to vector<400x128xf32>
    %get3A_12 = arith.constant 0 : index
    %get3A_13 = arith.constant 0 : index
    %get3A_14 = arith.constant 0 : index
    %get3A_15 = vector.load %arg3[%get3A_12, %get3A_13, %get3A_14] : memref<2x400x128xf32, #tpu.memory_space<vmem>>, vector<1x400x128xf32>
    %get3A_16 = vector.shape_cast %get3A_15 : vector<1x400x128xf32> to vector<400x128xf32>
    %add3A_17 = arith.addf %get3A_11, %get3A_16 : vector<400x128xf32>
    %get3A_18 = arith.constant 1 : index
    %get3A_19 = arith.constant 0 : index
    %get3A_20 = arith.constant 0 : index
    %get3A_21 = vector.load %arg2[%get3A_18, %get3A_19, %get3A_20] : memref<2x400x128xf32, #tpu.memory_space<vmem>>, vector<1x400x128xf32>
    %get3A_22 = vector.shape_cast %get3A_21 : vector<1x400x128xf32> to vector<400x128xf32>
    %get3A_23 = arith.constant 1 : index
    %get3A_24 = arith.constant 0 : index
    %get3A_25 = arith.constant 0 : index
    %get3A_26 = vector.load %arg3[%get3A_23, %get3A_24, %get3A_25] : memref<2x400x128xf32, #tpu.memory_space<vmem>>, vector<1x400x128xf32>
    %get3A_27 = vector.shape_cast %get3A_26 : vector<1x400x128xf32> to vector<400x128xf32>
    %add3A_28 = arith.addf %get3A_22, %get3A_27 : vector<400x128xf32>
    %concatenate3A = tpu.concatenate %add3A_17, %add3A_28 in 1 : vector<400x128xf32>, vector<400x128xf32> -> vector<400x256xf32>
    %mul3A = vector.broadcast %transpose3A : vector<400x1xf32> to vector<400x256xf32>
    %mul3A_29 = arith.mulf %concatenate3A, %mul3A : vector<400x256xf32>
    %get3A_30 = arith.constant 0 : index
    %get3A_31 = arith.constant 0 : index
    %get3A_32 = vector.load %arg4[%get3A_30, %get3A_31] : memref<1x256xf32, #tpu.memory_space<vmem>>, vector<1x256xf32>
    %add3A_33 = vector.broadcast %get3A_32 : vector<1x256xf32> to vector<400x256xf32>
    %add3A_34 = arith.addf %mul3A_29, %add3A_33 : vector<400x256xf32>
    %max3A = arith.constant 0.000000e+00 : f32
    %max3A_35 = vector.broadcast %max3A : f32 to vector<400x256xf32>
    %max3A_36 = arith.maximumf %add3A_34, %max3A_35 : vector<400x256xf32>
    %get3A_37 = arith.constant 0 : index
    %get3A_38 = arith.constant 0 : index
    %get3A_39 = vector.load %arg5[%get3A_37, %get3A_38] : memref<256x256xf32, #tpu.memory_space<vmem>>, vector<256x256xf32>
    %dot_general3A = arith.constant dense<0.000000e+00> : vector<400x256xf32>
    %dot_general3A_40 = tpu.matmul %max3A_36, %get3A_39, %dot_general3A {dimension_numbers = #tpu.dot_dimension_numbers<[1], [0], [0], [1], [0, 0, 1, 1], [], []>, transpose_lhs_hint = false} : vector<400x256xf32>, vector<256x256xf32>, vector<400x256xf32> -> vector<400x256xf32>
    %mul3A_41 = vector.broadcast %transpose3A : vector<400x1xf32> to vector<400x256xf32>
    %mul3A_42 = arith.mulf %dot_general3A_40, %mul3A_41 : vector<400x256xf32>
    %slice3A = vector.extract_strided_slice %mul3A_42 {offsets = [0, 0], sizes = [400, 128], strides = [1, 1]} : vector<400x256xf32> to vector<400x128xf32>
    %swap3A = arith.constant 0 : index
    %swap3A_43 = arith.constant 0 : index
    %swap3A_44 = arith.constant 0 : index
    %swap3A_45 = vector.load %arg6[%swap3A, %swap3A_43, %swap3A_44] : memref<2x400x128xf32, #tpu.memory_space<vmem>>, vector<1x400x128xf32>
    %swap3A_46 = vector.shape_cast %swap3A_45 : vector<1x400x128xf32> to vector<400x128xf32>
    %swap3A_47 = vector.shape_cast %slice3A : vector<400x128xf32> to vector<1x400x128xf32>
    tpu.vector_store %arg6[%swap3A, %swap3A_43, %swap3A_44], %swap3A_47 {strides = array<i32>} : memref<2x400x128xf32, #tpu.memory_space<vmem>>, vector<1x400x128xf32>,
    %slice3A_48 = vector.extract_strided_slice %mul3A_42 {offsets = [0, 128], sizes = [400, 128], strides = [1, 1]} : vector<400x256xf32> to vector<400x128xf32>
    %swap3A_49 = arith.constant 1 : index
    %swap3A_50 = arith.constant 0 : index
    %swap3A_51 = arith.constant 0 : index
    %swap3A_52 = vector.load %arg6[%swap3A_49, %swap3A_50, %swap3A_51] : memref<2x400x128xf32, #tpu.memory_space<vmem>>, vector<1x400x128xf32>
    %swap3A_53 = vector.shape_cast %swap3A_52 : vector<1x400x128xf32> to vector<400x128xf32>
    %swap3A_54 = vector.shape_cast %slice3A_48 : vector<400x128xf32> to vector<1x400x128xf32>
    tpu.vector_store %arg6[%swap3A_49, %swap3A_50, %swap3A_51], %swap3A_54 {strides = array<i32>} : memref<2x400x128xf32, #tpu.memory_space<vmem>>, vector<1x400x128xf32>,
    return
  }
  func.func @transform_0(%arg0: i32) -> (i32, i32, i32) {
    %c0_i32 = arith.constant 0 : i32
    %c0_i32_0 = arith.constant 0 : i32
    %c0_i32_1 = arith.constant 0 : i32
    return %arg0, %c0_i32, %c0_i32_0 : i32, i32, i32
  }
  func.func @transform_1(%arg0: i32) -> (i32, i32, i32) {
    %c0_i32 = arith.constant 0 : i32
    %c0_i32_0 = arith.constant 0 : i32
    %c0_i32_1 = arith.constant 0 : i32
    return %c0_i32, %arg0, %c0_i32_0 : i32, i32, i32
  }
  func.func @transform_2(%arg0: i32) -> (i32, i32, i32) {
    %c0_i32 = arith.constant 0 : i32
    %c0_i32_0 = arith.constant 0 : i32
    %c0_i32_1 = arith.constant 0 : i32
    return %c0_i32, %arg0, %c0_i32_0 : i32, i32, i32
  }
  func.func @transform_3(%arg0: i32) -> (i32, i32) {
    %c0_i32 = arith.constant 0 : i32
    %c0_i32_0 = arith.constant 0 : i32
    %c0_i32_1 = arith.constant 0 : i32
    return %c0_i32, %c0_i32_0 : i32, i32
  }
  func.func @transform_4(%arg0: i32) -> (i32, i32) {
    %c0_i32 = arith.constant 0 : i32
    %c0_i32_0 = arith.constant 0 : i32
    %c0_i32_1 = arith.constant 0 : i32
    return %c0_i32, %c0_i32_0 : i32, i32
  }
  func.func @transform_5(%arg0: i32) -> (i32, i32, i32) {
    %c0_i32 = arith.constant 0 : i32
    %c0_i32_0 = arith.constant 0 : i32
    %c0_i32_1 = arith.constant 0 : i32
    return %c0_i32, %arg0, %c0_i32_0 : i32, i32, i32
  }
}

module attributes {stable_mosaic.version = 14 : i64} {
  func.func @_tc3_body(%arg0: i32, %arg1: memref<1x32x400xf32, #tpu.memory_space<vmem>>, %arg2: memref<2x400x128xf32, #tpu.memory_space<vmem>>, %arg3: memref<2x400x128xf32, #tpu.memory_space<vmem>>, %arg4: memref<1x256xf32, #tpu.memory_space<vmem>>, %arg5: memref<256x128xf32, #tpu.memory_space<vmem>>, %arg6: memref<1x128xf32, #tpu.memory_space<vmem>>, %arg7: memref<1x128xf32, #tpu.memory_space<vmem>>, %arg8: memref<8x256xf32, #tpu.memory_space<vmem>>) attributes {dimension_semantics = [#tpu.dimension_semantics<arbitrary>], iteration_bounds = array<i64: 25>, scalar_prefetch = 0 : i64, scratch_operands = 1 : i64, tpu.core_type = #tpu.core_type<tc>, window_params = [{transform_indices = @transform_0, window_bounds = array<i64: 1, 32, 400>}, {transform_indices = @transform_1, window_bounds = array<i64: 2, 400, 128>}, {transform_indices = @transform_2, window_bounds = array<i64: 2, 400, 128>}, {pipeline_mode = #tpu.pipeline_mode<synchronous>, transform_indices = @transform_3, window_bounds = array<i64: 1, 256>}, {pipeline_mode = #tpu.pipeline_mode<synchronous>, transform_indices = @transform_4, window_bounds = array<i64: 256, 128>}, {pipeline_mode = #tpu.pipeline_mode<synchronous>, transform_indices = @transform_5, window_bounds = array<i64: 1, 128>}, {pipeline_mode = #tpu.pipeline_mode<synchronous>, transform_indices = @transform_6, window_bounds = array<i64: 1, 128>}]} {
    %get3A = arith.constant 0 : index
    %get3A_0 = arith.constant 0 : index
    %get3A_1 = arith.constant 0 : index
    %get3A_2 = vector.load %arg1[%get3A, %get3A_0, %get3A_1] : memref<1x32x400xf32, #tpu.memory_space<vmem>>, vector<1x32x400xf32>
    %get3A_3 = vector.shape_cast %get3A_2 : vector<1x32x400xf32> to vector<32x400xf32>
    %reduce_sum3A = arith.constant dense<0.000000e+00> : vector<400xf32>
    %reduce_sum3A_4 = vector.multi_reduction <add>, %get3A_3, %reduce_sum3A [0] : vector<32x400xf32> to vector<400xf32>
    %add3A = arith.constant 1.000000e+00 : f32
    %add3A_5 = vector.broadcast %add3A : f32 to vector<400xf32>
    %add3A_6 = arith.addf %reduce_sum3A_4, %add3A_5 : vector<400xf32>
    %rsqrt3A = math.rsqrt %add3A_6 : vector<400xf32>
    %broadcast_in_dim3A = vector.shape_cast %rsqrt3A : vector<400xf32> to vector<1x400xf32>
    %transpose3A = tpu.transpose %broadcast_in_dim3A, [1, 0] : vector<1x400xf32> -> vector<400x1xf32>
    %get3A_7 = arith.constant 0 : index
    %get3A_8 = arith.constant 0 : index
    %get3A_9 = arith.constant 0 : index
    %get3A_10 = vector.load %arg2[%get3A_7, %get3A_8, %get3A_9] : memref<2x400x128xf32, #tpu.memory_space<vmem>>, vector<1x400x128xf32>
    %get3A_11 = vector.shape_cast %get3A_10 : vector<1x400x128xf32> to vector<400x128xf32>
    %get3A_12 = arith.constant 0 : index
    %get3A_13 = arith.constant 0 : index
    %get3A_14 = arith.constant 0 : index
    %get3A_15 = vector.load %arg3[%get3A_12, %get3A_13, %get3A_14] : memref<2x400x128xf32, #tpu.memory_space<vmem>>, vector<1x400x128xf32>
    %get3A_16 = vector.shape_cast %get3A_15 : vector<1x400x128xf32> to vector<400x128xf32>
    %add3A_17 = arith.addf %get3A_11, %get3A_16 : vector<400x128xf32>
    %get3A_18 = arith.constant 1 : index
    %get3A_19 = arith.constant 0 : index
    %get3A_20 = arith.constant 0 : index
    %get3A_21 = vector.load %arg2[%get3A_18, %get3A_19, %get3A_20] : memref<2x400x128xf32, #tpu.memory_space<vmem>>, vector<1x400x128xf32>
    %get3A_22 = vector.shape_cast %get3A_21 : vector<1x400x128xf32> to vector<400x128xf32>
    %get3A_23 = arith.constant 1 : index
    %get3A_24 = arith.constant 0 : index
    %get3A_25 = arith.constant 0 : index
    %get3A_26 = vector.load %arg3[%get3A_23, %get3A_24, %get3A_25] : memref<2x400x128xf32, #tpu.memory_space<vmem>>, vector<1x400x128xf32>
    %get3A_27 = vector.shape_cast %get3A_26 : vector<1x400x128xf32> to vector<400x128xf32>
    %add3A_28 = arith.addf %get3A_22, %get3A_27 : vector<400x128xf32>
    %concatenate3A = tpu.concatenate %add3A_17, %add3A_28 in 1 : vector<400x128xf32>, vector<400x128xf32> -> vector<400x256xf32>
    %mul3A = vector.broadcast %transpose3A : vector<400x1xf32> to vector<400x256xf32>
    %mul3A_29 = arith.mulf %concatenate3A, %mul3A : vector<400x256xf32>
    %get3A_30 = arith.constant 0 : index
    %get3A_31 = arith.constant 0 : index
    %get3A_32 = vector.load %arg4[%get3A_30, %get3A_31] : memref<1x256xf32, #tpu.memory_space<vmem>>, vector<1x256xf32>
    %add3A_33 = vector.broadcast %get3A_32 : vector<1x256xf32> to vector<400x256xf32>
    %add3A_34 = arith.addf %mul3A_29, %add3A_33 : vector<400x256xf32>
    %max3A = arith.constant 0.000000e+00 : f32
    %max3A_35 = vector.broadcast %max3A : f32 to vector<400x256xf32>
    %max3A_36 = arith.maximumf %add3A_34, %max3A_35 : vector<400x256xf32>
    %reduce_sum3A_37 = arith.constant dense<0.000000e+00> : vector<256xf32>
    %reduce_sum3A_38 = vector.multi_reduction <add>, %max3A_36, %reduce_sum3A_37 [0] : vector<400x256xf32> to vector<256xf32>
    %broadcast_in_dim3A_39 = vector.shape_cast %reduce_sum3A_38 : vector<256xf32> to vector<1x256xf32>
    %eq3A = arith.constant 0 : i32
    %eq3A_40 = arith.cmpi eq, %arg0, %eq3A : i32
    %convert_element_type3A = arith.extui %eq3A_40 : i1 to i32
    %cond3A = arith.constant 0 : i32
    %cond3A_41 = arith.cmpi ne, %convert_element_type3A, %cond3A : i32
    scf.if %cond3A_41 {
      %broadcast_in_dim3A_53 = arith.constant 0.000000e+00 : f32
      %broadcast_in_dim3A_54 = vector.broadcast %broadcast_in_dim3A_53 : f32 to vector<8x256xf32>
      %swap3A_55 = arith.constant 0 : index
      %swap3A_56 = arith.constant 0 : index
      %swap3A_57 = vector.load %arg8[%swap3A_55, %swap3A_56] : memref<8x256xf32, #tpu.memory_space<vmem>>, vector<8x256xf32>
      tpu.vector_store %arg8[%swap3A_55, %swap3A_56], %broadcast_in_dim3A_54 {strides = array<i32>} : memref<8x256xf32, #tpu.memory_space<vmem>>, vector<8x256xf32>,
    } else {
    }
    %get3A_42 = arith.constant 0 : index
    %get3A_43 = arith.constant 0 : index
    %get3A_44 = vector.load %arg8[%get3A_42, %get3A_43] : memref<8x256xf32, #tpu.memory_space<vmem>>, vector<1x256xf32>
    %add3A_45 = arith.addf %get3A_44, %broadcast_in_dim3A_39 : vector<1x256xf32>
    %swap3A = arith.constant 0 : index
    %swap3A_46 = arith.constant 0 : index
    %swap3A_47 = vector.load %arg8[%swap3A, %swap3A_46] : memref<8x256xf32, #tpu.memory_space<vmem>>, vector<1x256xf32>
    tpu.vector_store %arg8[%swap3A, %swap3A_46], %add3A_45 {strides = array<i32>} : memref<8x256xf32, #tpu.memory_space<vmem>>, vector<1x256xf32>,
    %eq3A_48 = arith.constant 24 : i32
    %eq3A_49 = arith.cmpi eq, %arg0, %eq3A_48 : i32
    %convert_element_type3A_50 = arith.extui %eq3A_49 : i1 to i32
    %cond3A_51 = arith.constant 0 : i32
    %cond3A_52 = arith.cmpi ne, %convert_element_type3A_50, %cond3A_51 : i32
    scf.if %cond3A_52 {
      %get3A_53 = arith.constant 0 : index
      %get3A_54 = arith.constant 0 : index
      %get3A_55 = vector.load %arg8[%get3A_53, %get3A_54] : memref<8x256xf32, #tpu.memory_space<vmem>>, vector<1x256xf32>
      %mul3A_56 = arith.constant 9.99999974E-5 : f32
      %mul3A_57 = vector.broadcast %mul3A_56 : f32 to vector<1x256xf32>
      %mul3A_58 = arith.mulf %get3A_55, %mul3A_57 : vector<1x256xf32>
      %get3A_59 = arith.constant 0 : index
      %get3A_60 = arith.constant 0 : index
      %get3A_61 = vector.load %arg5[%get3A_59, %get3A_60] : memref<256x128xf32, #tpu.memory_space<vmem>>, vector<256x128xf32>
      %dot_general3A = arith.constant dense<0.000000e+00> : vector<1x128xf32>
      %dot_general3A_62 = tpu.matmul %mul3A_58, %get3A_61, %dot_general3A {dimension_numbers = #tpu.dot_dimension_numbers<[1], [0], [0], [1], [0, 0, 1, 1], [], []>, transpose_lhs_hint = false} : vector<1x256xf32>, vector<256x128xf32>, vector<1x128xf32> -> vector<1x128xf32>
      %get3A_63 = arith.constant 0 : index
      %get3A_64 = arith.constant 0 : index
      %get3A_65 = vector.load %arg6[%get3A_63, %get3A_64] : memref<1x128xf32, #tpu.memory_space<vmem>>, vector<1x128xf32>
      %add3A_66 = arith.addf %dot_general3A_62, %get3A_65 : vector<1x128xf32>
      %swap3A_67 = arith.constant 0 : index
      %swap3A_68 = arith.constant 0 : index
      %swap3A_69 = vector.load %arg7[%swap3A_67, %swap3A_68] : memref<1x128xf32, #tpu.memory_space<vmem>>, vector<1x128xf32>
      tpu.vector_store %arg7[%swap3A_67, %swap3A_68], %add3A_66 {strides = array<i32>} : memref<1x128xf32, #tpu.memory_space<vmem>>, vector<1x128xf32>,
    } else {
    }
    return
  }
  func.func @transform_0(%arg0: i32) -> (i32, i32, i32) {
    %c0_i32 = arith.constant 0 : i32
    %c0_i32_0 = arith.constant 0 : i32
    %c0_i32_1 = arith.constant 0 : i32
    return %arg0, %c0_i32, %c0_i32_0 : i32, i32, i32
  }
  func.func @transform_1(%arg0: i32) -> (i32, i32, i32) {
    %c0_i32 = arith.constant 0 : i32
    %c0_i32_0 = arith.constant 0 : i32
    %c0_i32_1 = arith.constant 0 : i32
    return %c0_i32, %arg0, %c0_i32_0 : i32, i32, i32
  }
  func.func @transform_2(%arg0: i32) -> (i32, i32, i32) {
    %c0_i32 = arith.constant 0 : i32
    %c0_i32_0 = arith.constant 0 : i32
    %c0_i32_1 = arith.constant 0 : i32
    return %c0_i32, %arg0, %c0_i32_0 : i32, i32, i32
  }
  func.func @transform_3(%arg0: i32) -> (i32, i32) {
    %c0_i32 = arith.constant 0 : i32
    %c0_i32_0 = arith.constant 0 : i32
    %c0_i32_1 = arith.constant 0 : i32
    return %c0_i32, %c0_i32_0 : i32, i32
  }
  func.func @transform_4(%arg0: i32) -> (i32, i32) {
    %c0_i32 = arith.constant 0 : i32
    %c0_i32_0 = arith.constant 0 : i32
    %c0_i32_1 = arith.constant 0 : i32
    return %c0_i32, %c0_i32_0 : i32, i32
  }
  func.func @transform_5(%arg0: i32) -> (i32, i32) {
    %c0_i32 = arith.constant 0 : i32
    %c0_i32_0 = arith.constant 0 : i32
    %c0_i32_1 = arith.constant 0 : i32
    return %c0_i32, %c0_i32_0 : i32, i32
  }
  func.func @transform_6(%arg0: i32) -> (i32, i32) {
    %c0_i32 = arith.constant 0 : i32
    %c0_i32_0 = arith.constant 0 : i32
    %c0_i32_1 = arith.constant 0 : i32
    return %c0_i32, %c0_i32_0 : i32, i32
  }
}

</mosaic_0001>

<sc_bundles>
// kernel: kernel.11.cloned.1.call-start
scs
__scs_entry_jumppad:
0x0: {  	(pc) =	sbr.rel $0x88, $3  }
0x1: {  	(tag) =	ssettag $0x0;
	lr =	simm.s32 $0x1  }
0x2: {  	[smem:$0x3F99] =	sst lr;
	_ =	strace $0xD0000000  }
0x3: {  	_ = 	snop  }
0x4: {  	_ = 	snop  }
0x5: {  	_ = 	snop  }
0x6: {  	_ = 	snop  }
0x7: {  	_ = 	snop  }
__scs_overlays_trampoline_lowered:
0x8: {  	[smem:$0x3FA8] =	sst s0  }
0x9: {  	[smem:$0x3FA9] =	sst s1  }
0xa: {  	[smem:$0x3FAA] =	sst s2  }
0xb: {  	[smem:$0x3FAB] =	sst s3  }
0xc: {  	[smem:$0x3FAC] =	sst s4  }
0xd: {  	[smem:$0x3FAD] =	sst s5  }
0xe: {  	[smem:$0x3FAE] =	sst s6  }
0xf: {  	[smem:$0x3FAF] =	sst s7  }
0x10: {  	[smem:$0x3FB0] =	sst s8  }
0x11: {  	[smem:$0x3FB1] =	sst s9;
	s0 =	simm.s32 @!p0 $0x0  }
0x12: {  	s1 =	sld [smem:$0x3F97];
	s0 =	simm.s32 @p0 $0x1  }
0x13: {  	[smem:$0x3FB2] =	sst s0;
	s0 =	simm.s32 @!p1 $0x0  }
0x14: {  	s2 =	sld [smem:$0x3F96];
	s0 =	simm.s32 @p1 $0x1  }
0x15: {  	[smem:$0x3FB3] =	sst s0;
	s0 =	simm.s32 @!p2 $0x0  }
0x16: {  	s3 =	sld [smem:$0x3FDB];
	s0 =	simm.s32 @p2 $0x1  }
0x17: {  	s4 =	simm.s32 $0x1BF5;
	[smem:$0x3FB5] =	sst s0  }
0x18: {  	s0 =	sld [smem:$0x3F98];
	_ =	swait.ge [sflag:s4], $0x0  }
0x19: {  	s7 =	sld [smem:$0x3F99]  }
0x1a: {  	s8 =	sadd.s32 $0xFFFFE003, lr  }
0x1b: {  	s9 =	sadd.s32 $0xFFFFFEF7, lr;
	s5 =	simm.s32 $0xFFFFFFFF;
	p2 =	slt.u32 s8, $0xFFFFF086  }
0x1c: {  	p1 =	slt.u32 s9, $0xF7A;
	s5 =	simm.s32 @!p2 $0x0  }
0x1d: {  	s5 =	simm.s32 @p1 $0x1;
	p0 =	seq.s32 s7, s2  }
0x1e: {  	s7 =	smul.u32 @!p0 $0xF7A, s2;
	p2 =	seq.s32 @!p0 s5, $0x0  }
0x1f: {  	s9 =	smul.u32 $0xF7A, s1;
	s8 =	simm.s32 @!p0 $0x1BF5;
	p2 =	por !p2, p0  }
0x20: {  	[sflag:s8] =	ssyncset.s32 @!p0 $0xFFFFF086;
	s6 =	sadd.s32 @!p0 s3, s7;
	s7 =	simm.s32 @!p0 $0x108  }
0x21: {  	s3 =	sadd.s32 s3, s9;
	s6 =	sadd.s32 @!p0 $0x88, s6;
	s7 =	simm.s32 @p2 $0x1082  }
0x22: {  	[simem:s7], [sflag:s8] =	dma.local @!p0 [hbm:s6], $0xF7A  }
0x23: {  	s9 =	sor.u32 $0xD0000000, s2;
	s6 =	simm.s32 $0x108;
	_ =	swait.ge @!p0 [sflag:s8], $0x0  }
0x24: {  	s3 =	sadd.s32 $0x88, s3;
	s6 =	simm.s32 @!p1 $0x1082;
	[sflag:s4] =	ssyncset.s32 $0xFFFFF086  }
0x25: {  	[simem:s6], [sflag:s4] =	dma.local [hbm:s3], $0xF7A  }
0x26: {  	[smem:$0x3F99] =	sst s1;
	(tag) =	ssettag s2;
	_ =	strace s9  }
0x27: {  	s1 =	sld [smem:$0x3FA9]  }
0x28: {  	s2 =	sld [smem:$0x3FAA]  }
0x29: {  	s4 =	sld [smem:$0x3FAC]  }
0x2a: {  	p0 =	seq.s32 s5, $0x0;
	s5 =	sld [smem:$0x3FAD]  }
0x2b: {  	s6 =	sld [smem:$0x3FAE]  }
0x2c: {  	s7 =	sld [smem:$0x3FAF]  }
0x2d: {  	s3 =	simm.s32 $0x108;
	s8 =	sld [smem:$0x3FB0]  }
0x2e: {  	s3 =	simm.s32 @!p0 $0x1082;
	s9 =	sld [smem:$0x3FB1]  }
0x2f: {  	lr =	sadd.s32 s0, s3;
	s0 =	sld [smem:$0x3FA8]  }
0x30: {  	s3 =	sld [smem:$0x3FAB]  }
0x31: {  	[smem:$0x3FB4] =	sst s10  }
0x32: {  	s10 =	sld [smem:$0x3FB2];
	_ =	sdelay $0x3  }
0x33: {  	p0 =	seq.s32 s10, $0x1;
	s10 =	sld [smem:$0x3FB4];
	_ =	sdelay $0x3  }
0x34: {  	[smem:$0x3FB4] =	sst s10  }
0x35: {  	s10 =	sld [smem:$0x3FB3];
	_ =	sdelay $0x3  }
0x36: {  	p1 =	seq.s32 s10, $0x1;
	s10 =	sld [smem:$0x3FB4];
	_ =	sdelay $0x3  }
0x37: {  	[smem:$0x3FB4] =	sst s10  }
0x38: {  	s10 =	sld [smem:$0x3FB5]  }
0x39: {  	_ = 	snop;
	(pc) =	sbr.ind lr, $3  }
0x3a: {  	_ = 	snop  }
0x3b: {  	_ = 	snop  }
0x3c: {  	p2 =	seq.s32 s10, $0x1;
	s10 =	sld [smem:$0x3FB4]  }
0x3d: {  	_ =	shalt  }
0x3e: {  	_ =	shalt  }
0x3f: {  	_ =	shalt  }
0x40: {  	_ =	shalt  }
0x41: {  	_ =	shalt  }
0x42: {  	_ =	shalt  }
0x43: {  	_ =	shalt  }
0x44: {  	_ =	shalt  }
0x45: {  	_ =	shalt  }
0x46: {  	_ =	shalt  }
0x47: {  	_ =	shalt  }
0x48: {  	_ =	shalt  }
0x49: {  	_ =	shalt  }
0x4a: {  	_ =	shalt  }
0x4b: {  	_ =	shalt  }
0x4c: {  	_ =	shalt  }
0x4d: {  	_ =	shalt  }
0x4e: {  	_ =	shalt  }
0x4f: {  	_ =	shalt  }
0x50: {  	_ =	shalt  }
0x51: {  	_ =	shalt  }
0x52: {  	_ =	shalt  }
0x53: {  	_ =	shalt  }
0x54: {  	_ =	shalt  }
0x55: {  	_ =	shalt  }
0x56: {  	_ =	shalt  }
0x57: {  	_ =	shalt  }
0x58: {  	_ =	shalt  }
0x59: {  	_ =	shalt  }
0x5a: {  	_ =	shalt  }
0x5b: {  	_ =	shalt  }
0x5c: {  	_ =	shalt  }
0x5d: {  	_ =	shalt  }
0x5e: {  	_ =	shalt  }
0x5f: {  	_ =	shalt  }
0x60: {  	_ =	shalt  }
0x61: {  	_ =	shalt  }
0x62: {  	_ =	shalt  }
0x63: {  	_ =	shalt  }
0x64: {  	_ =	shalt  }
0x65: {  	_ =	shalt  }
0x66: {  	_ =	shalt  }
0x67: {  	_ =	shalt  }
0x68: {  	_ =	shalt  }
0x69: {  	_ =	shalt  }
0x6a: {  	_ =	shalt  }
0x6b: {  	_ =	shalt  }
0x6c: {  	_ =	shalt  }
0x6d: {  	_ =	shalt  }
0x6e: {  	_ =	shalt  }
0x6f: {  	_ =	shalt  }
0x70: {  	_ =	shalt  }
0x71: {  	_ =	shalt  }
0x72: {  	_ =	shalt  }
0x73: {  	_ =	shalt  }
0x74: {  	_ =	shalt  }
0x75: {  	_ =	shalt  }
0x76: {  	_ =	shalt  }
0x77: {  	_ =	shalt  }
0x78: {  	_ =	shalt  }
0x79: {  	_ =	shalt  }
0x7a: {  	_ =	shalt  }
0x7b: {  	_ =	shalt  }
0x7c: {  	_ =	shalt  }
0x7d: {  	_ =	shalt  }
0x7e: {  	_ =	shalt  }
0x7f: {  	_ =	shalt  }
0x80: {  	_ =	shalt  }
0x81: {  	_ =	shalt  }
0x82: {  	_ =	shalt  }
0x83: {  	_ =	shalt  }
0x84: {  	_ =	shalt  }
0x85: {  	_ =	shalt  }
0x86: {  	_ =	shalt  }
0x87: {  	_ =	shalt  }
.Lfunc_end0:
.L_simem_size_0:
called_computation.1_lowered:
.L_overlay_start_0:
0x88: {  	s2 =	sld [smem:$0x3FD9]  }
0x89: {  	s3 =	sld [smem:$0x3FFE];
	_ =	sdelay $0x1  }
0x8a: {  	s1 =	srdreg.scid  }
0x8b: {  	s0 =	sand.u32 $0x1, s1  }
0x8c: {  	s16 =	sshll.u32 s0, $0xA;
	s2 =	sadd.s32 s3, s2  }
0x8d: {  	s2 =	sadd.s32 s2, s16  }
0x8e: {  	[smem:$0x3FC0] =	sst s2  }
0x8f: {  	_ = 	snop  }
0x90: {  	(tm) =	ssettm $0x1  }
0x91: {  	s17 =	sld [smem:$0x3FFB];
	_ =	sdelay $0x3  }
0x92: {  	_ =	strace s17  }
0x93: {  	s2 =	sld [smem:$0x3FFC];
	_ =	sdelay $0x3  }
0x94: {  	_ =	strace s2  }
0x95: {  	s2 =	sld [smem:$0x3FFD];
	_ =	sdelay $0x3  }
0x96: {  	_ =	strace s2  }
0x97: {  	_ =	strace $0x8FFFFFFF  }
0x98: {  	s18 =	sld [smem:$0x3FDB];
	_ =	sdelay $0x1  }
0x99: {  	s19 =	simm.s32 $_scs_section_size  }
0x9a: {  	s4 =	simm.s32 $_size__tile_overlayer_lowered;
	s5 =	simm.s32 $_tile_overlayer_lowered  }
0x9b: {  	s22 =	simm.s32 $0x1BFF;
	s21 =	sshll.u32 s5, $0x1;
	s2 =	sadd.s32 s19, s18  }
0x9c: {  	s6 =	simm.s32 $0x0;
	s20 =	sshll.u32 s4, $0x1;
	s4 =	sadd.s32 s21, s2  }
0x9d: {  	[timem:s6], [sflag:s22] =	dma.local [hbm:s4], s20  }
0x9e: {  	_ =	swait.ge [sflag:s22], s20  }
0x9f: {  	s3 =	ssub.s32 $0x0, s20;
	[sflag:s22] =	ssyncset.done $0x0  }
0xa0: {  	[sflag:s22] =	ssyncadd.s32 s3;
	_ =	sdelay $0x1  }
0xa1: {  	s23 =	simm.s32 $0x1B8B  }
0xa2: {  	_ =	swait.ge [sflag:s23], $0x1  }
0xa3: {  	[sflag:s23] =	ssyncset.done $0x0  }
0xa4: {  	s25 =	simm.s32 $0x1B8E;
	s24 =	sld [smem:$0x3FFE];
	[sflag:s23] =	ssyncadd.s32 $0xFFFFFFFF  }
0xa5: {  	s26 =	simm.s32 $execute0_lowered;
	[smem:$0x3FD2] =	sst s25  }
0xa6: {  	s4 =	sshll.u32 s26, $0x1;
	_ =	strace $0x80000049;
	[dreg:$0x1] =	wrdreg $0xFFFFFFFF  }
0xa7: {  	s28 =	simm.s32 $_size_execute0_lowered;
	s2 =	sadd.s32 s2, s4;
	[dreg:$0x0] =	wrdreg $0x0  }
0xa8: {  	s4 =	sshll.u32 s28, $0x1;
	[dreg:$0x2] =	wrdreg s2  }
0xa9: {  	[dreg:$0x3] =	wrdreg s4  }
0xaa: {  	[dreg:$0x4] =	wrdreg $0xC0  }
0xab: {  	_ =	task [dreg:s6], $0x5FFFF  }
0xac: {  	[dreg:$0x1] =	wrdreg $0xFFFFFFFF  }
0xad: {  	[dreg:$0x0] =	wrdreg $0x60  }
0xae: {  	[dreg:$0x2] =	wrdreg s24  }
0xaf: {  	[dreg:$0x3] =	wrdreg $0xA8000  }
0xb0: {  	[dreg:$0x4] =	wrdreg $0x9  }
0xb1: {  	_ =	task.clear_ibuf [dreg:s6], $0x5FFFF;
	_ =	strace $0x90000049  }
0xb2: {  	s29 =	simm.s32 $0x9;
	_ =	strace $0x8000004B  }
0xb3: {  	_ =	swait.ge [sflag:s29], $0x1  }
0xb4: {  	[sflag:s29] =	ssyncadd.s32 $0xFFFFFFFF  }
0xb5: {  	_ =	strace $0x9000004B  }
0xb6: {  	_ =	sfence  }
0xb7: {  	s30 =	sld [smem:$0x0];
	_ =	sdelay $0x2  }
0xb8: {  	s31 =	sshll.u32 s1, $0xD;
	s1 =	sshrl.u32 s1, $0x2  }
0xb9: {  	s3 =	sand.u32 $0x4000, s31;
	s1 =	sadd.s32 s1, s30  }
0xba: {  	s0 =	sor.u32 s3, s0;
	s1 =	sshll.u32 s1, $0x11  }
0xbb: {  	s0 =	sor.u32 s1, s0  }
0xbc: {  	s0 =	sadd.s32 $0x8F2B, s0  }
0xbd: {  	[sflag:s0] =	ssyncadd.remote.s32 $0x1  }
0xbe: {  	_ =	sfence.sel $0xFFFF  }
0xbf: {  	[dreg:$0x0] =	wrdreg $0xFFFFFFFF;
	(pc) =	sbr.abs _section_cstart, $3  }
0xc0: {  	[dreg:$0x1] =	wrdreg $0xFFFFFFFF  }
0xc1: {  	_ =	task.clear_ibuf [dreg:s6], $0x2FFFF;
	_ =	strace $0x9FFFFFFF  }
0xc2: {  	(tm) =	ssettm $0x7FFFFFFF  }
0xc3: {  	_ =	shalt  }
tec
execute0_lowered:
.L_overlay_start_1:
0x0: {  	(tag) =	ssettag $0x1  }
0x1: {  	s6 =	rddreg [dreg:$0x0]  }
0x2: {  	s0 =	srdreg.scid;
	s2 =	rddreg [dreg:$0x1]  }
0x3: {  	s1 =	rddreg [dreg:$0x2];
	s3 =	simm.s32 $0x0;
	s16 =	simm.s32 $0x2800  }
0x4: {  	s17 =	simm.s32 $0x3;
	s18 =	simm.s32 $0x1400;
	s5 =	sand.u32 $0x1, s0  }
0x5: {  	s19 =	simm.s32 $0x80;
	s0 =	stileid.u32;
	s4 =	smul.u32 $0x28000, s5  }
0x6: {  	s20 =	simm.s32 $0x1;
	s21 =	simm.s32 $0x6800;
	s7 =	smul.u32 $0x2800, s0  }
0x7: {  	s22 =	simm.s32 $0x2;
	s23 =	simm.s32 $0x1380;
	s8 =	smul.u32 $0x138800, s5  }
0x8: {  	s24 =	simm.s32 $0x2700;
	[smem:$0x7FF] =	sst s3;
	s9 =	smul.u32 $0x13880, s0  }
0x9: {  	_ =	strace $0x8000004A;
	s26 =	smul.u32 $0x4E200, s0;
	s28 =	ssub.s32 $0x2, s5  }
0xa: {  	s31 =	sshrl.u32 s28, $0x1;
	s4 =	sadd.s32 s4, s7;
	s25 =	sshrl.u32 s7, $0x3  }
0xb: {  	s11 =	sand.u32 $0x1FFC00, s9;
	s29 =	sshrl.u32 s26, $0x2;
	s12 =	ssub.s32 s28, s31  }
0xc: {  	s26 =	simm.s32 $0x2780;
	s4 =	sshrl.u32 s4, $0x3;
	s15 =	sadd.s32 s25, s6  }
0xd: {  	s8 =	sadd.s32 s8, s11;
	s5 =	sadd.s32 s29, s2;
	s25 =	sadd.s32 s11, s2  }
0xe: {  	s11 =	smax.u32 s12, $0x1;
	s14 =	sadd.s32 s4, s6;
	s4 =	sadd.s32 $0x21000, s6  }
0xf: {  	s30 =	sshrl.u32 s8, $0x3;
	s7 =	sadd.s32 $0x7D00, s5;
	s8 =	sadd.s32 $0xBB80, s5  }
0x10: {  	s9 =	sadd.s32 $0xFA00, s5;
	s13 =	sadd.s32 $0x12000, s15;
	s15 =	sadd.s32 $0x12280, s15  }
0x11: {  	s25 =	sshrl.u32 s25, $0x3;
	s10 =	sadd.s32 s30, s6;
	s6 =	sadd.s32 $0x3E80, s5  }
0x12: {  	v0 =	vimm.f32 $0.0e+00;
	s12 =	sadd.s32 $0x17000, s14;
	s14 =	sadd.s32 $0x17280, s14;
	s10 =	sadd.s32 $0x6F200, s10  }
.LBB2_1:
0x13: {  	s28 =	simm.s32 $0x0;
	s29 =	simm.s32 $0x200  }
.LBB2_2:
0x14: {  	p0 =	sne.s32 s29, $0xFE00;
	[tilespmem:s28+$0x2870] =	vst v0  }
0x15: {  	[tilespmem:s28+$0x2800] =	vst v0  }
0x16: {  	[tilespmem:s28+$0x2810] =	vst v0  }
.Ltmp0:
0x17: {  	[tilespmem:s28+$0x2820] =	vst v0;
	(pc) =	sbr.rel @p0 .LBB2_2-.Ltmp0, $4  }
0x18: {  	[tilespmem:s28+$0x2830] =	vst v0  }
0x19: {  	[tilespmem:s28+$0x2840] =	vst v0  }
0x1a: {  	[tilespmem:s28+$0x2850] =	vst v0  }
0x1b: {  	[tilespmem:s28+$0x2860] =	vst v0;
	s28 =	sshra.s32 s29, $0x2;
	s29 =	sadd.s32 $0x200, s29  }
0x1c: {  	[tilespmem:s28+$0x2870] =	vst v0  }
0x1d: {  	[tilespmem:s28+$0x2800] =	vst v0  }
0x1e: {  	[tilespmem:s28+$0x2810] =	vst v0  }
0x1f: {  	[tilespmem:s28+$0x2820] =	vst v0  }
0x20: {  	[tilespmem:s28+$0x2830] =	vst v0  }
0x21: {  	[tilespmem:s28+$0x2840] =	vst v0  }
0x22: {  	[tilespmem:s28+$0x2850] =	vst v0  }
0x23: {  	[tilespmem:s28+$0x2860] =	vst v0  }
0x24: {  	[spmem:s5] =	stream.linear.scatter [tilespmem:s16], [sflag:$0x3], $0x3E80, $0x38;
	[tilespmem:$0x1E0C0] =	vst v63  }
0x25: {  	_ =	swait.ge [sflag:s17], $0x3E80  }
0x26: {  	[sflag:s17] =	ssyncset.done $0x0  }
0x27: {  	[sflag:s17] =	ssyncadd.s32 $0xFFFFC180  }
0x28: {  	[spmem:s6] =	stream.linear.scatter [tilespmem:s16], [sflag:$0x3], $0x3E80, $0x38;
	[tilespmem:$0x1E0C0] =	vst v63  }
0x29: {  	_ =	swait.ge [sflag:s17], $0x3E80  }
0x2a: {  	[sflag:s17] =	ssyncset.done $0x0  }
0x2b: {  	[sflag:s17] =	ssyncadd.s32 $0xFFFFC180  }
0x2c: {  	[spmem:s7] =	stream.linear.scatter [tilespmem:s16], [sflag:$0x3], $0x3E80, $0x38;
	[tilespmem:$0x1E0C0] =	vst v63  }
0x2d: {  	_ =	swait.ge [sflag:s17], $0x3E80  }
0x2e: {  	[sflag:s17] =	ssyncset.done $0x0  }
0x2f: {  	[sflag:s17] =	ssyncadd.s32 $0xFFFFC180  }
0x30: {  	[spmem:s8] =	stream.linear.scatter [tilespmem:s16], [sflag:$0x3], $0x3E80, $0x38;
	[tilespmem:$0x1E0C0] =	vst v63  }
0x31: {  	_ =	swait.ge [sflag:s17], $0x3E80  }
0x32: {  	[sflag:s17] =	ssyncset.done $0x0  }
0x33: {  	[sflag:s17] =	ssyncadd.s32 $0xFFFFC180  }
0x34: {  	[spmem:s9] =	stream.linear.scatter [tilespmem:s16], [sflag:$0x3], $0x3E80, $0x38;
	[tilespmem:$0x1E0C0] =	vst v63  }
0x35: {  	_ =	swait.ge [sflag:s17], $0x3E80  }
0x36: {  	[sflag:s17] =	ssyncset.done $0x0  }
0x37: {  	[sflag:s17] =	ssyncadd.s32 $0xFFFFC180  }
0x38: {  	s28 =	simm.s32 $0x0;
	[bflag:$0x0] =	sbarrier.arrive $0xFFFF  }
0x39: {  	[tilespmem:s28], [sflag:$0x3] =	stream.linear.gather [hbm4b:s12+s28], $0x1400, $0x38;
	[tilespmem:$0x1E0C0] =	vst v63  }
0x3a: {  	_ =	swait.ge [sflag:s17], $0x1400  }
0x3b: {  	[sflag:s17] =	ssyncset.done $0x0  }
0x3c: {  	[sflag:s17] =	ssyncadd.s32 $0xFFFFEC00  }
0x3d: {  	[tilespmem:s18], [sflag:$0x3] =	stream.linear.gather [hbm4b:s13+s28], $0x1400, $0x38;
	[tilespmem:$0x1E0C0] =	vst v63  }
0x3e: {  	_ =	swait.ge [sflag:s17], $0x1400  }
0x3f: {  	[sflag:s17] =	ssyncset.done $0x0  }
0x40: {  	[sflag:s17] =	ssyncadd.s32 $0xFFFFEC00  }
0x41: {  	[tilespmem:s16], [sflag:$0x1] =	stream.indirect.gather [hbm4b:s4+s19], $0x80, s28, s19, $0xb8;
	[tilespmem:$0x1E0C0] =	vst v63  }
0x42: {  	_ =	swait.ge [sflag:s20], $0x4000  }
0x43: {  	[sflag:s20] =	ssyncset.done $0x0  }
0x44: {  	s28 =	simm.s32 $0x80;
	[sflag:s20] =	ssyncadd.s32 $0xFFFFC000  }
0x45: {  	[tilespmem:s21], [sflag:$0x2] =	stream.indirect.gather [hbm4b:s4+s19], $0x80, s28, s19, $0xb8;
	[tilespmem:$0x1E0C0] =	vst v63  }
0x46: {  	s28 =	simm.s32 $0x1400  }
0x47: {  	[spmem:s2] =	stream.indirect.scatter.add.f32 [tilespmem:s16], [sflag:$0x3], $0x80, s28, s19, $0xb8;
	[tilespmem:$0x1E0C0] =	vst v63  }
0x48: {  	_ =	swait.ge [sflag:s17], $0x4000  }
0x49: {  	[sflag:s17] =	ssyncset.done $0x0  }
0x4a: {  	[sflag:s17] =	ssyncadd.s32 $0xFFFFC000  }
0x4b: {  	_ =	swait.ge [sflag:s22], $0x4000  }
0x4c: {  	[sflag:s22] =	ssyncset.done $0x0  }
0x4d: {  	s28 =	simm.s32 $0x100;
	[sflag:s22] =	ssyncadd.s32 $0xFFFFC000  }
0x4e: {  	[tilespmem:s16], [sflag:$0x1] =	stream.indirect.gather [hbm4b:s4+s19], $0x80, s28, s19, $0xb8;
	[tilespmem:$0x1E0C0] =	vst v63  }
0x4f: {  	s28 =	simm.s32 $0x1480  }
0x50: {  	[spmem:s2] =	stream.indirect.scatter.add.f32 [tilespmem:s21], [sflag:$0x3], $0x80, s28, s19, $0xb8;
	[tilespmem:$0x1E0C0] =	vst v63  }
0x51: {  	_ =	swait.ge [sflag:s17], $0x4000  }
0x52: {  	s28 =	simm.s32 $0x400;
	[sflag:s17] =	ssyncset.done $0x0  }
.LBB2_4:
0x53: {  	p0 =	sne.s32 s28, $0x4800  }
0x54: {  	[sflag:s17] =	ssyncadd.s32 $0xFFFFC000;
	s29 =	smov.u32 s28;
	s28 =	sadd.s32 $0x400, s28  }
0x55: {  	_ = 	snop  }
0x56: {  	_ =	swait.ge [sflag:s20], $0x4000  }
0x57: {  	s29 =	sshra.s32 s29, $0x2;
	[sflag:s20] =	ssyncset.done $0x0  }
0x58: {  	s30 =	sadd.s32 $0x80, s29;
	[sflag:s20] =	ssyncadd.s32 $0xFFFFC000  }
0x59: {  	[tilespmem:s21], [sflag:$0x2] =	stream.indirect.gather [hbm4b:s4+s19], $0x80, s30, s19, $0xb8;
	[tilespmem:$0x1E0C0] =	vst v63  }
0x5a: {  	s30 =	sadd.s32 $0x1400, s29  }
0x5b: {  	[spmem:s2] =	stream.indirect.scatter.add.f32 [tilespmem:s16], [sflag:$0x3], $0x80, s30, s19, $0xb8;
	[tilespmem:$0x1E0C0] =	vst v63  }
0x5c: {  	_ =	swait.ge [sflag:s17], $0x4000  }
0x5d: {  	[sflag:s17] =	ssyncset.done $0x0  }
0x5e: {  	[sflag:s17] =	ssyncadd.s32 $0xFFFFC000  }
0x5f: {  	_ =	swait.ge [sflag:s22], $0x4000  }
0x60: {  	[sflag:s22] =	ssyncset.done $0x0  }
0x61: {  	s30 =	sadd.s32 $0x100, s29;
	[sflag:s22] =	ssyncadd.s32 $0xFFFFC000  }
0x62: {  	[tilespmem:s16], [sflag:$0x1] =	stream.indirect.gather [hbm4b:s4+s19], $0x80, s30, s19, $0xb8;
	[tilespmem:$0x1E0C0] =	vst v63  }
.Ltmp1:
0x63: {  	_ = 	snop;
	(pc) =	sbr.rel @p0 .LBB2_4-.Ltmp1, $4  }
0x64: {  	s29 =	sadd.s32 $0x1480, s29  }
0x65: {  	[spmem:s2] =	stream.indirect.scatter.add.f32 [tilespmem:s21], [sflag:$0x3], $0x80, s29, s19, $0xb8;
	[tilespmem:$0x1E0C0] =	vst v63  }
0x66: {  	_ =	swait.ge [sflag:s17], $0x4000  }
0x67: {  	[sflag:s17] =	ssyncset.done $0x0  }
0x68: {  	[sflag:s17] =	ssyncadd.s32 $0xFFFFC000  }
0x69: {  	_ =	swait.ge [sflag:s20], $0x4000  }
0x6a: {  	[sflag:s20] =	ssyncset.done $0x0  }
0x6b: {  	[sflag:s20] =	ssyncadd.s32 $0xFFFFC000  }
0x6c: {  	[tilespmem:s21], [sflag:$0x2] =	stream.indirect.gather [hbm4b:s4+s19], $0x80, s23, s19, $0xb8;
	[tilespmem:$0x1E0C0] =	vst v63  }
0x6d: {  	_ = 	snop  }
0x6e: {  	[spmem:s2] =	stream.indirect.scatter.add.f32 [tilespmem:s16], [sflag:$0x3], $0x80, s24, s19, $0xb8;
	[tilespmem:$0x1E0C0] =	vst v63  }
0x6f: {  	_ =	swait.ge [sflag:s17], $0x4000  }
0x70: {  	[sflag:s17] =	ssyncset.done $0x0  }
0x71: {  	[sflag:s17] =	ssyncadd.s32 $0xFFFFC000  }
0x72: {  	_ =	swait.ge [sflag:s22], $0x4000  }
0x73: {  	[sflag:s22] =	ssyncset.done $0x0  }
0x74: {  	[sflag:s22] =	ssyncadd.s32 $0xFFFFC000  }
0x75: {  	[spmem:s2] =	stream.indirect.scatter.add.f32 [tilespmem:s21], [sflag:$0x3], $0x80, s26, s19, $0xb8;
	[tilespmem:$0x1E0C0] =	vst v63  }
0x76: {  	_ =	swait.ge [sflag:s17], $0x4000  }
0x77: {  	[sflag:s17] =	ssyncset.done $0x0  }
0x78: {  	s28 =	simm.s32 $0x0;
	[sflag:s17] =	ssyncadd.s32 $0xFFFFC000  }
0x79: {  	[tilespmem:s28], [sflag:$0x3] =	stream.linear.gather [hbm4b:s14+s28], $0x1400, $0x38;
	[tilespmem:$0x1E0C0] =	vst v63  }
0x7a: {  	_ =	swait.ge [sflag:s17], $0x1400  }
0x7b: {  	[sflag:s17] =	ssyncset.done $0x0  }
0x7c: {  	[sflag:s17] =	ssyncadd.s32 $0xFFFFEC00  }
0x7d: {  	[tilespmem:s18], [sflag:$0x3] =	stream.linear.gather [hbm4b:s15+s28], $0x1400, $0x38;
	[tilespmem:$0x1E0C0] =	vst v63  }
0x7e: {  	_ =	swait.ge [sflag:s17], $0x1400  }
0x7f: {  	[sflag:s17] =	ssyncset.done $0x0  }
0x80: {  	[sflag:s17] =	ssyncadd.s32 $0xFFFFEC00  }
0x81: {  	[tilespmem:s16], [sflag:$0x1] =	stream.indirect.gather [hbm4b:s4+s19], $0x80, s28, s19, $0xb8;
	[tilespmem:$0x1E0C0] =	vst v63  }
0x82: {  	_ =	swait.ge [sflag:s20], $0x4000  }
0x83: {  	[sflag:s20] =	ssyncset.done $0x0  }
0x84: {  	s28 =	simm.s32 $0x80;
	[sflag:s20] =	ssyncadd.s32 $0xFFFFC000  }
0x85: {  	[tilespmem:s21], [sflag:$0x2] =	stream.indirect.gather [hbm4b:s4+s19], $0x80, s28, s19, $0xb8;
	[tilespmem:$0x1E0C0] =	vst v63  }
0x86: {  	s28 =	simm.s32 $0x1400  }
0x87: {  	[spmem:s2] =	stream.indirect.scatter.add.f32 [tilespmem:s16], [sflag:$0x3], $0x80, s28, s19, $0xb8;
	[tilespmem:$0x1E0C0] =	vst v63  }
0x88: {  	_ =	swait.ge [sflag:s17], $0x4000  }
0x89: {  	[sflag:s17] =	ssyncset.done $0x0  }
0x8a: {  	[sflag:s17] =	ssyncadd.s32 $0xFFFFC000  }
0x8b: {  	_ =	swait.ge [sflag:s22], $0x4000  }
0x8c: {  	[sflag:s22] =	ssyncset.done $0x0  }
0x8d: {  	s28 =	simm.s32 $0x100;
	[sflag:s22] =	ssyncadd.s32 $0xFFFFC000  }
0x8e: {  	[tilespmem:s16], [sflag:$0x1] =	stream.indirect.gather [hbm4b:s4+s19], $0x80, s28, s19, $0xb8;
	[tilespmem:$0x1E0C0] =	vst v63  }
0x8f: {  	s28 =	simm.s32 $0x1480  }
0x90: {  	[spmem:s2] =	stream.indirect.scatter.add.f32 [tilespmem:s21], [sflag:$0x3], $0x80, s28, s19, $0xb8;
	[tilespmem:$0x1E0C0] =	vst v63  }
0x91: {  	_ =	swait.ge [sflag:s17], $0x4000  }
0x92: {  	s28 =	simm.s32 $0x400;
	[sflag:s17] =	ssyncset.done $0x0  }
.LBB2_6:
0x93: {  	p0 =	sne.s32 s28, $0x4800  }
0x94: {  	[sflag:s17] =	ssyncadd.s32 $0xFFFFC000;
	s29 =	smov.u32 s28;
	s28 =	sadd.s32 $0x400, s28  }
0x95: {  	_ = 	snop  }
0x96: {  	_ =	swait.ge [sflag:s20], $0x4000  }
0x97: {  	s29 =	sshra.s32 s29, $0x2;
	[sflag:s20] =	ssyncset.done $0x0  }
0x98: {  	s30 =	sadd.s32 $0x80, s29;
	[sflag:s20] =	ssyncadd.s32 $0xFFFFC000  }
0x99: {  	[tilespmem:s21], [sflag:$0x2] =	stream.indirect.gather [hbm4b:s4+s19], $0x80, s30, s19, $0xb8;
	[tilespmem:$0x1E0C0] =	vst v63  }
0x9a: {  	s30 =	sadd.s32 $0x1400, s29  }
0x9b: {  	[spmem:s2] =	stream.indirect.scatter.add.f32 [tilespmem:s16], [sflag:$0x3], $0x80, s30, s19, $0xb8;
	[tilespmem:$0x1E0C0] =	vst v63  }
0x9c: {  	_ =	swait.ge [sflag:s17], $0x4000  }
0x9d: {  	[sflag:s17] =	ssyncset.done $0x0  }
0x9e: {  	[sflag:s17] =	ssyncadd.s32 $0xFFFFC000  }
0x9f: {  	_ =	swait.ge [sflag:s22], $0x4000  }
0xa0: {  	[sflag:s22] =	ssyncset.done $0x0  }
0xa1: {  	s30 =	sadd.s32 $0x100, s29;
	[sflag:s22] =	ssyncadd.s32 $0xFFFFC000  }
0xa2: {  	[tilespmem:s16], [sflag:$0x1] =	stream.indirect.gather [hbm4b:s4+s19], $0x80, s30, s19, $0xb8;
	[tilespmem:$0x1E0C0] =	vst v63  }
.Ltmp2:
0xa3: {  	_ = 	snop;
	(pc) =	sbr.rel @p0 .LBB2_6-.Ltmp2, $4  }
0xa4: {  	s29 =	sadd.s32 $0x1480, s29  }
0xa5: {  	[spmem:s2] =	stream.indirect.scatter.add.f32 [tilespmem:s21], [sflag:$0x3], $0x80, s29, s19, $0xb8;
	[tilespmem:$0x1E0C0] =	vst v63  }
0xa6: {  	_ =	swait.ge [sflag:s17], $0x4000  }
0xa7: {  	[sflag:s17] =	ssyncset.done $0x0  }
0xa8: {  	[sflag:s17] =	ssyncadd.s32 $0xFFFFC000  }
0xa9: {  	_ =	swait.ge [sflag:s20], $0x4000  }
0xaa: {  	[sflag:s20] =	ssyncset.done $0x0  }
0xab: {  	[sflag:s20] =	ssyncadd.s32 $0xFFFFC000  }
0xac: {  	[tilespmem:s21], [sflag:$0x2] =	stream.indirect.gather [hbm4b:s4+s19], $0x80, s23, s19, $0xb8;
	[tilespmem:$0x1E0C0] =	vst v63  }
0xad: {  	_ = 	snop  }
0xae: {  	[spmem:s2] =	stream.indirect.scatter.add.f32 [tilespmem:s16], [sflag:$0x3], $0x80, s24, s19, $0xb8;
	[tilespmem:$0x1E0C0] =	vst v63  }
0xaf: {  	_ =	swait.ge [sflag:s17], $0x4000  }
0xb0: {  	[sflag:s17] =	ssyncset.done $0x0  }
0xb1: {  	[sflag:s17] =	ssyncadd.s32 $0xFFFFC000  }
0xb2: {  	_ =	swait.ge [sflag:s22], $0x4000  }
0xb3: {  	[sflag:s22] =	ssyncset.done $0x0  }
0xb4: {  	[sflag:s22] =	ssyncadd.s32 $0xFFFFC000  }
0xb5: {  	[spmem:s2] =	stream.indirect.scatter.add.f32 [tilespmem:s21], [sflag:$0x3], $0x80, s26, s19, $0xb8;
	[tilespmem:$0x1E0C0] =	vst v63  }
0xb6: {  	_ =	swait.ge [sflag:s17], $0x4000  }
0xb7: {  	s3 =	sadd.s32 $0x1, s3;
	[sflag:s17] =	ssyncset.done $0x0  }
0xb8: {  	s28 =	sshll.u32 s0, $0x6;
	p0 =	sne.s32 s3, s11;
	[sflag:s17] =	ssyncadd.s32 $0xFFFFC000  }
.Ltmp3:
0xb9: {  	s28 =	sor.u32 $0x1C03, s28;
	[bflag:$0x0] =	sbarrier.arrive $0xFFFF;
	(pc) =	sbr.rel @p0 .LBB2_1-.Ltmp3, $4  }
0xba: {  	[hbm:s10], [sflag:s28] =	dma.local [spmem:s25], $0x2780  }
0xbb: {  	_ =	swait.ge [sflag:s17], $0x2780  }
0xbc: {  	[sflag:s17] =	ssyncset.done $0x0  }
0xbd: {  	[sflag:s17] =	ssyncadd.s32 $0xFFFFD880  }
0xbe: {  	_ =	sfence.sel $0x180000  }
0xbf: {  	[bflag:$0x0] =	sbarrier.arrive $0xFFFF  }
0xc0: {  	p0 =	sne.s32 s0, $0x0;
	_ =	strace $0x9000004A  }
0xc1: {  	s0 =	sadd.s32 @!p0 $0x100000, s1;
	[bflag:$0x2] =	sbarrier.arrive $0xFFFF  }
0xc2: {  	[sflag:s0] =	ssyncadd.tile.s32 @!p0 $0x1;
	_ =	shalt  }
.Lfunc_end2:
_tile_overlayer_lowered:
.L_overlay_start_2:
0xc3: {  	(tag) =	ssettag $0x2  }
0xc4: {  	s0 =	rddreg [dreg:$0x0];
	s2 =	stileid.u32  }
0xc5: {  	s1 =	rddreg [dreg:$0x1];
	p0 =	sne.s32 s2, $0x0  }
0xc6: {  	s3 =	rddreg [dreg:$0x2];
	[bflag:$0x3] =	sbarrier.arrive $0xFFFF;
	s2 =	simm.s32 @!p0 $0x1C03  }
0xc7: {  	[timem:s3], [sflag:s2] =	dma.local @!p0 [hbm:s0], s1  }
0xc8: {  	s0 =	simm.s32 @!p0 $0x3  }
0xc9: {  	_ =	swait.ge @!p0 [sflag:s0], s1  }
0xca: {  	s1 =	ssub.s32 @!p0 $0x0, s1;
	[sflag:s0] =	ssyncset.done @!p0 $0x0  }
0xcb: {  	[sflag:s0] =	ssyncadd.s32 @!p0 s1  }
0xcc: {  	[bflag:$0x3] =	sbarrier.arrive $0xFFFF  }
0xcd: {  	_ =	shalt  }

// kernel: kernel.14.cloned.1.call-start
scs
__scs_entry_jumppad:
0x0: {  	(pc) =	sbr.rel $0x88, $3  }
0x1: {  	(tag) =	ssettag $0x0;
	lr =	simm.s32 $0x1  }
0x2: {  	[smem:$0x3F99] =	sst lr;
	_ =	strace $0xD0000000  }
0x3: {  	_ = 	snop  }
0x4: {  	_ = 	snop  }
0x5: {  	_ = 	snop  }
0x6: {  	_ = 	snop  }
0x7: {  	_ = 	snop  }
__scs_overlays_trampoline_lowered:
0x8: {  	[smem:$0x3FA8] =	sst s0  }
0x9: {  	[smem:$0x3FA9] =	sst s1  }
0xa: {  	[smem:$0x3FAA] =	sst s2  }
0xb: {  	[smem:$0x3FAB] =	sst s3  }
0xc: {  	[smem:$0x3FAC] =	sst s4  }
0xd: {  	[smem:$0x3FAD] =	sst s5  }
0xe: {  	[smem:$0x3FAE] =	sst s6  }
0xf: {  	[smem:$0x3FAF] =	sst s7  }
0x10: {  	[smem:$0x3FB0] =	sst s8  }
0x11: {  	[smem:$0x3FB1] =	sst s9;
	s0 =	simm.s32 @!p0 $0x0  }
0x12: {  	s1 =	sld [smem:$0x3F97];
	s0 =	simm.s32 @p0 $0x1  }
0x13: {  	[smem:$0x3FB2] =	sst s0;
	s0 =	simm.s32 @!p1 $0x0  }
0x14: {  	s2 =	sld [smem:$0x3F96];
	s0 =	simm.s32 @p1 $0x1  }
0x15: {  	[smem:$0x3FB3] =	sst s0;
	s0 =	simm.s32 @!p2 $0x0  }
0x16: {  	s3 =	sld [smem:$0x3FDB];
	s0 =	simm.s32 @p2 $0x1  }
0x17: {  	s4 =	simm.s32 $0x1BF5;
	[smem:$0x3FB5] =	sst s0  }
0x18: {  	s0 =	sld [smem:$0x3F98];
	_ =	swait.ge [sflag:s4], $0x0  }
0x19: {  	s7 =	sld [smem:$0x3F99]  }
0x1a: {  	s8 =	sadd.s32 $0xFFFFE003, lr  }
0x1b: {  	s9 =	sadd.s32 $0xFFFFFEF7, lr;
	s5 =	simm.s32 $0xFFFFFFFF;
	p2 =	slt.u32 s8, $0xFFFFF086  }
0x1c: {  	p1 =	slt.u32 s9, $0xF7A;
	s5 =	simm.s32 @!p2 $0x0  }
0x1d: {  	s5 =	simm.s32 @p1 $0x1;
	p0 =	seq.s32 s7, s2  }
0x1e: {  	s7 =	smul.u32 @!p0 $0xF7A, s2;
	p2 =	seq.s32 @!p0 s5, $0x0  }
0x1f: {  	s9 =	smul.u32 $0xF7A, s1;
	s8 =	simm.s32 @!p0 $0x1BF5;
	p2 =	por !p2, p0  }
0x20: {  	[sflag:s8] =	ssyncset.s32 @!p0 $0xFFFFF086;
	s6 =	sadd.s32 @!p0 s3, s7;
	s7 =	simm.s32 @!p0 $0x108  }
0x21: {  	s3 =	sadd.s32 s3, s9;
	s6 =	sadd.s32 @!p0 $0x88, s6;
	s7 =	simm.s32 @p2 $0x1082  }
0x22: {  	[simem:s7], [sflag:s8] =	dma.local @!p0 [hbm:s6], $0xF7A  }
0x23: {  	s9 =	sor.u32 $0xD0000000, s2;
	s6 =	simm.s32 $0x108;
	_ =	swait.ge @!p0 [sflag:s8], $0x0  }
0x24: {  	s3 =	sadd.s32 $0x88, s3;
	s6 =	simm.s32 @!p1 $0x1082;
	[sflag:s4] =	ssyncset.s32 $0xFFFFF086  }
0x25: {  	[simem:s6], [sflag:s4] =	dma.local [hbm:s3], $0xF7A  }
0x26: {  	[smem:$0x3F99] =	sst s1;
	(tag) =	ssettag s2;
	_ =	strace s9  }
0x27: {  	s1 =	sld [smem:$0x3FA9]  }
0x28: {  	s2 =	sld [smem:$0x3FAA]  }
0x29: {  	s4 =	sld [smem:$0x3FAC]  }
0x2a: {  	p0 =	seq.s32 s5, $0x0;
	s5 =	sld [smem:$0x3FAD]  }
0x2b: {  	s6 =	sld [smem:$0x3FAE]  }
0x2c: {  	s7 =	sld [smem:$0x3FAF]  }
0x2d: {  	s3 =	simm.s32 $0x108;
	s8 =	sld [smem:$0x3FB0]  }
0x2e: {  	s3 =	simm.s32 @!p0 $0x1082;
	s9 =	sld [smem:$0x3FB1]  }
0x2f: {  	lr =	sadd.s32 s0, s3;
	s0 =	sld [smem:$0x3FA8]  }
0x30: {  	s3 =	sld [smem:$0x3FAB]  }
0x31: {  	[smem:$0x3FB4] =	sst s10  }
0x32: {  	s10 =	sld [smem:$0x3FB2];
	_ =	sdelay $0x3  }
0x33: {  	p0 =	seq.s32 s10, $0x1;
	s10 =	sld [smem:$0x3FB4];
	_ =	sdelay $0x3  }
0x34: {  	[smem:$0x3FB4] =	sst s10  }
0x35: {  	s10 =	sld [smem:$0x3FB3];
	_ =	sdelay $0x3  }
0x36: {  	p1 =	seq.s32 s10, $0x1;
	s10 =	sld [smem:$0x3FB4];
	_ =	sdelay $0x3  }
0x37: {  	[smem:$0x3FB4] =	sst s10  }
0x38: {  	s10 =	sld [smem:$0x3FB5]  }
0x39: {  	_ = 	snop;
	(pc) =	sbr.ind lr, $3  }
0x3a: {  	_ = 	snop  }
0x3b: {  	_ = 	snop  }
0x3c: {  	p2 =	seq.s32 s10, $0x1;
	s10 =	sld [smem:$0x3FB4]  }
0x3d: {  	_ =	shalt  }
0x3e: {  	_ =	shalt  }
0x3f: {  	_ =	shalt  }
0x40: {  	_ =	shalt  }
0x41: {  	_ =	shalt  }
0x42: {  	_ =	shalt  }
0x43: {  	_ =	shalt  }
0x44: {  	_ =	shalt  }
0x45: {  	_ =	shalt  }
0x46: {  	_ =	shalt  }
0x47: {  	_ =	shalt  }
0x48: {  	_ =	shalt  }
0x49: {  	_ =	shalt  }
0x4a: {  	_ =	shalt  }
0x4b: {  	_ =	shalt  }
0x4c: {  	_ =	shalt  }
0x4d: {  	_ =	shalt  }
0x4e: {  	_ =	shalt  }
0x4f: {  	_ =	shalt  }
0x50: {  	_ =	shalt  }
0x51: {  	_ =	shalt  }
0x52: {  	_ =	shalt  }
0x53: {  	_ =	shalt  }
0x54: {  	_ =	shalt  }
0x55: {  	_ =	shalt  }
0x56: {  	_ =	shalt  }
0x57: {  	_ =	shalt  }
0x58: {  	_ =	shalt  }
0x59: {  	_ =	shalt  }
0x5a: {  	_ =	shalt  }
0x5b: {  	_ =	shalt  }
0x5c: {  	_ =	shalt  }
0x5d: {  	_ =	shalt  }
0x5e: {  	_ =	shalt  }
0x5f: {  	_ =	shalt  }
0x60: {  	_ =	shalt  }
0x61: {  	_ =	shalt  }
0x62: {  	_ =	shalt  }
0x63: {  	_ =	shalt  }
0x64: {  	_ =	shalt  }
0x65: {  	_ =	shalt  }
0x66: {  	_ =	shalt  }
0x67: {  	_ =	shalt  }
0x68: {  	_ =	shalt  }
0x69: {  	_ =	shalt  }
0x6a: {  	_ =	shalt  }
0x6b: {  	_ =	shalt  }
0x6c: {  	_ =	shalt  }
0x6d: {  	_ =	shalt  }
0x6e: {  	_ =	shalt  }
0x6f: {  	_ =	shalt  }
0x70: {  	_ =	shalt  }
0x71: {  	_ =	shalt  }
0x72: {  	_ =	shalt  }
0x73: {  	_ =	shalt  }
0x74: {  	_ =	shalt  }
0x75: {  	_ =	shalt  }
0x76: {  	_ =	shalt  }
0x77: {  	_ =	shalt  }
0x78: {  	_ =	shalt  }
0x79: {  	_ =	shalt  }
0x7a: {  	_ =	shalt  }
0x7b: {  	_ =	shalt  }
0x7c: {  	_ =	shalt  }
0x7d: {  	_ =	shalt  }
0x7e: {  	_ =	shalt  }
0x7f: {  	_ =	shalt  }
0x80: {  	_ =	shalt  }
0x81: {  	_ =	shalt  }
0x82: {  	_ =	shalt  }
0x83: {  	_ =	shalt  }
0x84: {  	_ =	shalt  }
0x85: {  	_ =	shalt  }
0x86: {  	_ =	shalt  }
0x87: {  	_ =	shalt  }
.Lfunc_end0:
.L_simem_size_0:
called_computation.2_lowered:
.L_overlay_start_0:
0x88: {  	s2 =	sld [smem:$0x3FD9]  }
0x89: {  	s3 =	sld [smem:$0x3FFE];
	_ =	sdelay $0x1  }
0x8a: {  	s1 =	srdreg.scid  }
0x8b: {  	s0 =	sand.u32 $0x1, s1  }
0x8c: {  	s16 =	sshll.u32 s0, $0xA;
	s2 =	sadd.s32 s3, s2  }
0x8d: {  	s2 =	sadd.s32 s2, s16  }
0x8e: {  	[smem:$0x3FC0] =	sst s2  }
0x8f: {  	_ = 	snop  }
0x90: {  	(tm) =	ssettm $0x1  }
0x91: {  	s17 =	sld [smem:$0x3FFB];
	_ =	sdelay $0x3  }
0x92: {  	_ =	strace s17  }
0x93: {  	s2 =	sld [smem:$0x3FFC];
	_ =	sdelay $0x3  }
0x94: {  	_ =	strace s2  }
0x95: {  	s2 =	sld [smem:$0x3FFD];
	_ =	sdelay $0x3  }
0x96: {  	_ =	strace s2  }
0x97: {  	_ =	strace $0x8FFFFFFF  }
0x98: {  	s18 =	sld [smem:$0x3FDB];
	_ =	sdelay $0x1  }
0x99: {  	s19 =	simm.s32 $_scs_section_size  }
0x9a: {  	s4 =	simm.s32 $_size__tile_overlayer_lowered;
	s5 =	simm.s32 $_tile_overlayer_lowered  }
0x9b: {  	s22 =	simm.s32 $0x1BFF;
	s21 =	sshll.u32 s5, $0x1;
	s2 =	sadd.s32 s19, s18  }
0x9c: {  	s6 =	simm.s32 $0x0;
	s20 =	sshll.u32 s4, $0x1;
	s4 =	sadd.s32 s21, s2  }
0x9d: {  	[timem:s6], [sflag:s22] =	dma.local [hbm:s4], s20  }
0x9e: {  	_ =	swait.ge [sflag:s22], s20  }
0x9f: {  	s3 =	ssub.s32 $0x0, s20;
	[sflag:s22] =	ssyncset.done $0x0  }
0xa0: {  	[sflag:s22] =	ssyncadd.s32 s3;
	_ =	sdelay $0x1  }
0xa1: {  	s23 =	simm.s32 $0x1B8B  }
0xa2: {  	_ =	swait.ge [sflag:s23], $0x1  }
0xa3: {  	[sflag:s23] =	ssyncset.done $0x0  }
0xa4: {  	s25 =	simm.s32 $0x1B8E;
	s24 =	sld [smem:$0x3FFE];
	[sflag:s23] =	ssyncadd.s32 $0xFFFFFFFF  }
0xa5: {  	s26 =	simm.s32 $execute0_lowered;
	[smem:$0x3FD2] =	sst s25  }
0xa6: {  	s4 =	sshll.u32 s26, $0x1;
	_ =	strace $0x8000004C;
	[dreg:$0x1] =	wrdreg $0xFFFFFFFF  }
0xa7: {  	s28 =	simm.s32 $_size_execute0_lowered;
	s2 =	sadd.s32 s2, s4;
	[dreg:$0x0] =	wrdreg $0x0  }
0xa8: {  	s4 =	sshll.u32 s28, $0x1;
	[dreg:$0x2] =	wrdreg s2  }
0xa9: {  	[dreg:$0x3] =	wrdreg s4  }
0xaa: {  	[dreg:$0x4] =	wrdreg $0xC0  }
0xab: {  	_ =	task [dreg:s6], $0x5FFFF  }
0xac: {  	[dreg:$0x1] =	wrdreg $0xFFFFFFFF  }
0xad: {  	[dreg:$0x0] =	wrdreg $0x60  }
0xae: {  	[dreg:$0x2] =	wrdreg s24  }
0xaf: {  	[dreg:$0x3] =	wrdreg $0xA8000  }
0xb0: {  	[dreg:$0x4] =	wrdreg $0x9  }
0xb1: {  	_ =	task.clear_ibuf [dreg:s6], $0x5FFFF;
	_ =	strace $0x9000004C  }
0xb2: {  	s29 =	simm.s32 $0x9;
	_ =	strace $0x8000004E  }
0xb3: {  	_ =	swait.ge [sflag:s29], $0x1  }
0xb4: {  	[sflag:s29] =	ssyncadd.s32 $0xFFFFFFFF  }
0xb5: {  	_ =	strace $0x9000004E  }
0xb6: {  	_ =	sfence  }
0xb7: {  	s30 =	sld [smem:$0x0];
	_ =	sdelay $0x2  }
0xb8: {  	s31 =	sshll.u32 s1, $0xD;
	s1 =	sshrl.u32 s1, $0x2  }
0xb9: {  	s3 =	sand.u32 $0x4000, s31;
	s1 =	sadd.s32 s1, s30  }
0xba: {  	s0 =	sor.u32 s3, s0;
	s1 =	sshll.u32 s1, $0x11  }
0xbb: {  	s0 =	sor.u32 s1, s0  }
0xbc: {  	s0 =	sadd.s32 $0x8F2B, s0  }
0xbd: {  	[sflag:s0] =	ssyncadd.remote.s32 $0x1  }
0xbe: {  	_ =	sfence.sel $0xFFFF  }
0xbf: {  	[dreg:$0x0] =	wrdreg $0xFFFFFFFF;
	(pc) =	sbr.abs _section_cstart, $3  }
0xc0: {  	[dreg:$0x1] =	wrdreg $0xFFFFFFFF  }
0xc1: {  	_ =	task.clear_ibuf [dreg:s6], $0x2FFFF;
	_ =	strace $0x9FFFFFFF  }
0xc2: {  	(tm) =	ssettm $0x7FFFFFFF  }
0xc3: {  	_ =	shalt  }
tec
execute0_lowered:
.L_overlay_start_1:
0x0: {  	(tag) =	ssettag $0x1  }
0x1: {  	s6 =	rddreg [dreg:$0x0]  }
0x2: {  	s0 =	srdreg.scid;
	s2 =	rddreg [dreg:$0x1]  }
0x3: {  	s1 =	rddreg [dreg:$0x2];
	s3 =	simm.s32 $0x0;
	s16 =	simm.s32 $0x2800  }
0x4: {  	s17 =	simm.s32 $0x3;
	s18 =	simm.s32 $0x1400;
	s5 =	sand.u32 $0x1, s0  }
0x5: {  	s19 =	simm.s32 $0x80;
	s0 =	stileid.u32;
	s4 =	smul.u32 $0x28000, s5  }
0x6: {  	s20 =	simm.s32 $0x1;
	s21 =	simm.s32 $0x6800;
	s7 =	smul.u32 $0x2800, s0  }
0x7: {  	s22 =	simm.s32 $0x2;
	s23 =	simm.s32 $0x1380;
	s8 =	smul.u32 $0x138800, s5  }
0x8: {  	s24 =	simm.s32 $0x2700;
	[smem:$0x7FF] =	sst s3;
	s9 =	smul.u32 $0x13880, s0  }
0x9: {  	_ =	strace $0x8000004D;
	s26 =	smul.u32 $0x4E200, s0;
	s28 =	ssub.s32 $0x2, s5  }
0xa: {  	s31 =	sshrl.u32 s28, $0x1;
	s4 =	sadd.s32 s4, s7;
	s25 =	sshrl.u32 s7, $0x3  }
0xb: {  	s11 =	sand.u32 $0x1FFC00, s9;
	s29 =	sshrl.u32 s26, $0x2;
	s12 =	ssub.s32 s28, s31  }
0xc: {  	s26 =	simm.s32 $0x2780;
	s4 =	sshrl.u32 s4, $0x3;
	s15 =	sadd.s32 s25, s6  }
0xd: {  	s8 =	sadd.s32 s8, s11;
	s5 =	sadd.s32 s29, s2;
	s25 =	sadd.s32 s11, s2  }
0xe: {  	s11 =	smax.u32 s12, $0x1;
	s14 =	sadd.s32 s4, s6;
	s4 =	sadd.s32 $0x21000, s6  }
0xf: {  	s30 =	sshrl.u32 s8, $0x3;
	s7 =	sadd.s32 $0x7D00, s5;
	s8 =	sadd.s32 $0xBB80, s5  }
0x10: {  	s9 =	sadd.s32 $0xFA00, s5;
	s13 =	sadd.s32 $0x12000, s15;
	s15 =	sadd.s32 $0x12280, s15  }
0x11: {  	s25 =	sshrl.u32 s25, $0x3;
	s10 =	sadd.s32 s30, s6;
	s6 =	sadd.s32 $0x3E80, s5  }
0x12: {  	v0 =	vimm.f32 $0.0e+00;
	s12 =	sadd.s32 $0x17000, s14;
	s14 =	sadd.s32 $0x17280, s14;
	s10 =	sadd.s32 $0x6F200, s10  }
.LBB2_1:
0x13: {  	s28 =	simm.s32 $0x0;
	s29 =	simm.s32 $0x200  }
.LBB2_2:
0x14: {  	p0 =	sne.s32 s29, $0xFE00;
	[tilespmem:s28+$0x2870] =	vst v0  }
0x15: {  	[tilespmem:s28+$0x2800] =	vst v0  }
0x16: {  	[tilespmem:s28+$0x2810] =	vst v0  }
.Ltmp0:
0x17: {  	[tilespmem:s28+$0x2820] =	vst v0;
	(pc) =	sbr.rel @p0 .LBB2_2-.Ltmp0, $4  }
0x18: {  	[tilespmem:s28+$0x2830] =	vst v0  }
0x19: {  	[tilespmem:s28+$0x2840] =	vst v0  }
0x1a: {  	[tilespmem:s28+$0x2850] =	vst v0  }
0x1b: {  	[tilespmem:s28+$0x2860] =	vst v0;
	s28 =	sshra.s32 s29, $0x2;
	s29 =	sadd.s32 $0x200, s29  }
0x1c: {  	[tilespmem:s28+$0x2870] =	vst v0  }
0x1d: {  	[tilespmem:s28+$0x2800] =	vst v0  }
0x1e: {  	[tilespmem:s28+$0x2810] =	vst v0  }
0x1f: {  	[tilespmem:s28+$0x2820] =	vst v0  }
0x20: {  	[tilespmem:s28+$0x2830] =	vst v0  }
0x21: {  	[tilespmem:s28+$0x2840] =	vst v0  }
0x22: {  	[tilespmem:s28+$0x2850] =	vst v0  }
0x23: {  	[tilespmem:s28+$0x2860] =	vst v0  }
0x24: {  	[spmem:s5] =	stream.linear.scatter [tilespmem:s16], [sflag:$0x3], $0x3E80, $0x38;
	[tilespmem:$0x1E0C0] =	vst v63  }
0x25: {  	_ =	swait.ge [sflag:s17], $0x3E80  }
0x26: {  	[sflag:s17] =	ssyncset.done $0x0  }
0x27: {  	[sflag:s17] =	ssyncadd.s32 $0xFFFFC180  }
0x28: {  	[spmem:s6] =	stream.linear.scatter [tilespmem:s16], [sflag:$0x3], $0x3E80, $0x38;
	[tilespmem:$0x1E0C0] =	vst v63  }
0x29: {  	_ =	swait.ge [sflag:s17], $0x3E80  }
0x2a: {  	[sflag:s17] =	ssyncset.done $0x0  }
0x2b: {  	[sflag:s17] =	ssyncadd.s32 $0xFFFFC180  }
0x2c: {  	[spmem:s7] =	stream.linear.scatter [tilespmem:s16], [sflag:$0x3], $0x3E80, $0x38;
	[tilespmem:$0x1E0C0] =	vst v63  }
0x2d: {  	_ =	swait.ge [sflag:s17], $0x3E80  }
0x2e: {  	[sflag:s17] =	ssyncset.done $0x0  }
0x2f: {  	[sflag:s17] =	ssyncadd.s32 $0xFFFFC180  }
0x30: {  	[spmem:s8] =	stream.linear.scatter [tilespmem:s16], [sflag:$0x3], $0x3E80, $0x38;
	[tilespmem:$0x1E0C0] =	vst v63  }
0x31: {  	_ =	swait.ge [sflag:s17], $0x3E80  }
0x32: {  	[sflag:s17] =	ssyncset.done $0x0  }
0x33: {  	[sflag:s17] =	ssyncadd.s32 $0xFFFFC180  }
0x34: {  	[spmem:s9] =	stream.linear.scatter [tilespmem:s16], [sflag:$0x3], $0x3E80, $0x38;
	[tilespmem:$0x1E0C0] =	vst v63  }
0x35: {  	_ =	swait.ge [sflag:s17], $0x3E80  }
0x36: {  	[sflag:s17] =	ssyncset.done $0x0  }
0x37: {  	[sflag:s17] =	ssyncadd.s32 $0xFFFFC180  }
0x38: {  	s28 =	simm.s32 $0x0;
	[bflag:$0x0] =	sbarrier.arrive $0xFFFF  }
0x39: {  	[tilespmem:s28], [sflag:$0x3] =	stream.linear.gather [hbm4b:s12+s28], $0x1400, $0x38;
	[tilespmem:$0x1E0C0] =	vst v63  }
0x3a: {  	_ =	swait.ge [sflag:s17], $0x1400  }
0x3b: {  	[sflag:s17] =	ssyncset.done $0x0  }
0x3c: {  	[sflag:s17] =	ssyncadd.s32 $0xFFFFEC00  }
0x3d: {  	[tilespmem:s18], [sflag:$0x3] =	stream.linear.gather [hbm4b:s13+s28], $0x1400, $0x38;
	[tilespmem:$0x1E0C0] =	vst v63  }
0x3e: {  	_ =	swait.ge [sflag:s17], $0x1400  }
0x3f: {  	[sflag:s17] =	ssyncset.done $0x0  }
0x40: {  	[sflag:s17] =	ssyncadd.s32 $0xFFFFEC00  }
0x41: {  	[tilespmem:s16], [sflag:$0x1] =	stream.indirect.gather [hbm4b:s4+s19], $0x80, s28, s19, $0xb8;
	[tilespmem:$0x1E0C0] =	vst v63  }
0x42: {  	_ =	swait.ge [sflag:s20], $0x4000  }
0x43: {  	[sflag:s20] =	ssyncset.done $0x0  }
0x44: {  	s28 =	simm.s32 $0x80;
	[sflag:s20] =	ssyncadd.s32 $0xFFFFC000  }
0x45: {  	[tilespmem:s21], [sflag:$0x2] =	stream.indirect.gather [hbm4b:s4+s19], $0x80, s28, s19, $0xb8;
	[tilespmem:$0x1E0C0] =	vst v63  }
0x46: {  	s28 =	simm.s32 $0x1400  }
0x47: {  	[spmem:s2] =	stream.indirect.scatter.add.f32 [tilespmem:s16], [sflag:$0x3], $0x80, s28, s19, $0xb8;
	[tilespmem:$0x1E0C0] =	vst v63  }
0x48: {  	_ =	swait.ge [sflag:s17], $0x4000  }
0x49: {  	[sflag:s17] =	ssyncset.done $0x0  }
0x4a: {  	[sflag:s17] =	ssyncadd.s32 $0xFFFFC000  }
0x4b: {  	_ =	swait.ge [sflag:s22], $0x4000  }
0x4c: {  	[sflag:s22] =	ssyncset.done $0x0  }
0x4d: {  	s28 =	simm.s32 $0x100;
	[sflag:s22] =	ssyncadd.s32 $0xFFFFC000  }
0x4e: {  	[tilespmem:s16], [sflag:$0x1] =	stream.indirect.gather [hbm4b:s4+s19], $0x80, s28, s19, $0xb8;
	[tilespmem:$0x1E0C0] =	vst v63  }
0x4f: {  	s28 =	simm.s32 $0x1480  }
0x50: {  	[spmem:s2] =	stream.indirect.scatter.add.f32 [tilespmem:s21], [sflag:$0x3], $0x80, s28, s19, $0xb8;
	[tilespmem:$0x1E0C0] =	vst v63  }
0x51: {  	_ =	swait.ge [sflag:s17], $0x4000  }
0x52: {  	s28 =	simm.s32 $0x400;
	[sflag:s17] =	ssyncset.done $0x0  }
.LBB2_4:
0x53: {  	p0 =	sne.s32 s28, $0x4800  }
0x54: {  	[sflag:s17] =	ssyncadd.s32 $0xFFFFC000;
	s29 =	smov.u32 s28;
	s28 =	sadd.s32 $0x400, s28  }
0x55: {  	_ = 	snop  }
0x56: {  	_ =	swait.ge [sflag:s20], $0x4000  }
0x57: {  	s29 =	sshra.s32 s29, $0x2;
	[sflag:s20] =	ssyncset.done $0x0  }
0x58: {  	s30 =	sadd.s32 $0x80, s29;
	[sflag:s20] =	ssyncadd.s32 $0xFFFFC000  }
0x59: {  	[tilespmem:s21], [sflag:$0x2] =	stream.indirect.gather [hbm4b:s4+s19], $0x80, s30, s19, $0xb8;
	[tilespmem:$0x1E0C0] =	vst v63  }
0x5a: {  	s30 =	sadd.s32 $0x1400, s29  }
0x5b: {  	[spmem:s2] =	stream.indirect.scatter.add.f32 [tilespmem:s16], [sflag:$0x3], $0x80, s30, s19, $0xb8;
	[tilespmem:$0x1E0C0] =	vst v63  }
0x5c: {  	_ =	swait.ge [sflag:s17], $0x4000  }
0x5d: {  	[sflag:s17] =	ssyncset.done $0x0  }
0x5e: {  	[sflag:s17] =	ssyncadd.s32 $0xFFFFC000  }
0x5f: {  	_ =	swait.ge [sflag:s22], $0x4000  }
0x60: {  	[sflag:s22] =	ssyncset.done $0x0  }
0x61: {  	s30 =	sadd.s32 $0x100, s29;
	[sflag:s22] =	ssyncadd.s32 $0xFFFFC000  }
0x62: {  	[tilespmem:s16], [sflag:$0x1] =	stream.indirect.gather [hbm4b:s4+s19], $0x80, s30, s19, $0xb8;
	[tilespmem:$0x1E0C0] =	vst v63  }
.Ltmp1:
0x63: {  	_ = 	snop;
	(pc) =	sbr.rel @p0 .LBB2_4-.Ltmp1, $4  }
0x64: {  	s29 =	sadd.s32 $0x1480, s29  }
0x65: {  	[spmem:s2] =	stream.indirect.scatter.add.f32 [tilespmem:s21], [sflag:$0x3], $0x80, s29, s19, $0xb8;
	[tilespmem:$0x1E0C0] =	vst v63  }
0x66: {  	_ =	swait.ge [sflag:s17], $0x4000  }
0x67: {  	[sflag:s17] =	ssyncset.done $0x0  }
0x68: {  	[sflag:s17] =	ssyncadd.s32 $0xFFFFC000  }
0x69: {  	_ =	swait.ge [sflag:s20], $0x4000  }
0x6a: {  	[sflag:s20] =	ssyncset.done $0x0  }
0x6b: {  	[sflag:s20] =	ssyncadd.s32 $0xFFFFC000  }
0x6c: {  	[tilespmem:s21], [sflag:$0x2] =	stream.indirect.gather [hbm4b:s4+s19], $0x80, s23, s19, $0xb8;
	[tilespmem:$0x1E0C0] =	vst v63  }
0x6d: {  	_ = 	snop  }
0x6e: {  	[spmem:s2] =	stream.indirect.scatter.add.f32 [tilespmem:s16], [sflag:$0x3], $0x80, s24, s19, $0xb8;
	[tilespmem:$0x1E0C0] =	vst v63  }
0x6f: {  	_ =	swait.ge [sflag:s17], $0x4000  }
0x70: {  	[sflag:s17] =	ssyncset.done $0x0  }
0x71: {  	[sflag:s17] =	ssyncadd.s32 $0xFFFFC000  }
0x72: {  	_ =	swait.ge [sflag:s22], $0x4000  }
0x73: {  	[sflag:s22] =	ssyncset.done $0x0  }
0x74: {  	[sflag:s22] =	ssyncadd.s32 $0xFFFFC000  }
0x75: {  	[spmem:s2] =	stream.indirect.scatter.add.f32 [tilespmem:s21], [sflag:$0x3], $0x80, s26, s19, $0xb8;
	[tilespmem:$0x1E0C0] =	vst v63  }
0x76: {  	_ =	swait.ge [sflag:s17], $0x4000  }
0x77: {  	[sflag:s17] =	ssyncset.done $0x0  }
0x78: {  	s28 =	simm.s32 $0x0;
	[sflag:s17] =	ssyncadd.s32 $0xFFFFC000  }
0x79: {  	[tilespmem:s28], [sflag:$0x3] =	stream.linear.gather [hbm4b:s14+s28], $0x1400, $0x38;
	[tilespmem:$0x1E0C0] =	vst v63  }
0x7a: {  	_ =	swait.ge [sflag:s17], $0x1400  }
0x7b: {  	[sflag:s17] =	ssyncset.done $0x0  }
0x7c: {  	[sflag:s17] =	ssyncadd.s32 $0xFFFFEC00  }
0x7d: {  	[tilespmem:s18], [sflag:$0x3] =	stream.linear.gather [hbm4b:s15+s28], $0x1400, $0x38;
	[tilespmem:$0x1E0C0] =	vst v63  }
0x7e: {  	_ =	swait.ge [sflag:s17], $0x1400  }
0x7f: {  	[sflag:s17] =	ssyncset.done $0x0  }
0x80: {  	[sflag:s17] =	ssyncadd.s32 $0xFFFFEC00  }
0x81: {  	[tilespmem:s16], [sflag:$0x1] =	stream.indirect.gather [hbm4b:s4+s19], $0x80, s28, s19, $0xb8;
	[tilespmem:$0x1E0C0] =	vst v63  }
0x82: {  	_ =	swait.ge [sflag:s20], $0x4000  }
0x83: {  	[sflag:s20] =	ssyncset.done $0x0  }
0x84: {  	s28 =	simm.s32 $0x80;
	[sflag:s20] =	ssyncadd.s32 $0xFFFFC000  }
0x85: {  	[tilespmem:s21], [sflag:$0x2] =	stream.indirect.gather [hbm4b:s4+s19], $0x80, s28, s19, $0xb8;
	[tilespmem:$0x1E0C0] =	vst v63  }
0x86: {  	s28 =	simm.s32 $0x1400  }
0x87: {  	[spmem:s2] =	stream.indirect.scatter.add.f32 [tilespmem:s16], [sflag:$0x3], $0x80, s28, s19, $0xb8;
	[tilespmem:$0x1E0C0] =	vst v63  }
0x88: {  	_ =	swait.ge [sflag:s17], $0x4000  }
0x89: {  	[sflag:s17] =	ssyncset.done $0x0  }
0x8a: {  	[sflag:s17] =	ssyncadd.s32 $0xFFFFC000  }
0x8b: {  	_ =	swait.ge [sflag:s22], $0x4000  }
0x8c: {  	[sflag:s22] =	ssyncset.done $0x0  }
0x8d: {  	s28 =	simm.s32 $0x100;
	[sflag:s22] =	ssyncadd.s32 $0xFFFFC000  }
0x8e: {  	[tilespmem:s16], [sflag:$0x1] =	stream.indirect.gather [hbm4b:s4+s19], $0x80, s28, s19, $0xb8;
	[tilespmem:$0x1E0C0] =	vst v63  }
0x8f: {  	s28 =	simm.s32 $0x1480  }
0x90: {  	[spmem:s2] =	stream.indirect.scatter.add.f32 [tilespmem:s21], [sflag:$0x3], $0x80, s28, s19, $0xb8;
	[tilespmem:$0x1E0C0] =	vst v63  }
0x91: {  	_ =	swait.ge [sflag:s17], $0x4000  }
0x92: {  	s28 =	simm.s32 $0x400;
	[sflag:s17] =	ssyncset.done $0x0  }
.LBB2_6:
0x93: {  	p0 =	sne.s32 s28, $0x4800  }
0x94: {  	[sflag:s17] =	ssyncadd.s32 $0xFFFFC000;
	s29 =	smov.u32 s28;
	s28 =	sadd.s32 $0x400, s28  }
0x95: {  	_ = 	snop  }
0x96: {  	_ =	swait.ge [sflag:s20], $0x4000  }
0x97: {  	s29 =	sshra.s32 s29, $0x2;
	[sflag:s20] =	ssyncset.done $0x0  }
0x98: {  	s30 =	sadd.s32 $0x80, s29;
	[sflag:s20] =	ssyncadd.s32 $0xFFFFC000  }
0x99: {  	[tilespmem:s21], [sflag:$0x2] =	stream.indirect.gather [hbm4b:s4+s19], $0x80, s30, s19, $0xb8;
	[tilespmem:$0x1E0C0] =	vst v63  }
0x9a: {  	s30 =	sadd.s32 $0x1400, s29  }
0x9b: {  	[spmem:s2] =	stream.indirect.scatter.add.f32 [tilespmem:s16], [sflag:$0x3], $0x80, s30, s19, $0xb8;
	[tilespmem:$0x1E0C0] =	vst v63  }
0x9c: {  	_ =	swait.ge [sflag:s17], $0x4000  }
0x9d: {  	[sflag:s17] =	ssyncset.done $0x0  }
0x9e: {  	[sflag:s17] =	ssyncadd.s32 $0xFFFFC000  }
0x9f: {  	_ =	swait.ge [sflag:s22], $0x4000  }
0xa0: {  	[sflag:s22] =	ssyncset.done $0x0  }
0xa1: {  	s30 =	sadd.s32 $0x100, s29;
	[sflag:s22] =	ssyncadd.s32 $0xFFFFC000  }
0xa2: {  	[tilespmem:s16], [sflag:$0x1] =	stream.indirect.gather [hbm4b:s4+s19], $0x80, s30, s19, $0xb8;
	[tilespmem:$0x1E0C0] =	vst v63  }
.Ltmp2:
0xa3: {  	_ = 	snop;
	(pc) =	sbr.rel @p0 .LBB2_6-.Ltmp2, $4  }
0xa4: {  	s29 =	sadd.s32 $0x1480, s29  }
0xa5: {  	[spmem:s2] =	stream.indirect.scatter.add.f32 [tilespmem:s21], [sflag:$0x3], $0x80, s29, s19, $0xb8;
	[tilespmem:$0x1E0C0] =	vst v63  }
0xa6: {  	_ =	swait.ge [sflag:s17], $0x4000  }
0xa7: {  	[sflag:s17] =	ssyncset.done $0x0  }
0xa8: {  	[sflag:s17] =	ssyncadd.s32 $0xFFFFC000  }
0xa9: {  	_ =	swait.ge [sflag:s20], $0x4000  }
0xaa: {  	[sflag:s20] =	ssyncset.done $0x0  }
0xab: {  	[sflag:s20] =	ssyncadd.s32 $0xFFFFC000  }
0xac: {  	[tilespmem:s21], [sflag:$0x2] =	stream.indirect.gather [hbm4b:s4+s19], $0x80, s23, s19, $0xb8;
	[tilespmem:$0x1E0C0] =	vst v63  }
0xad: {  	_ = 	snop  }
0xae: {  	[spmem:s2] =	stream.indirect.scatter.add.f32 [tilespmem:s16], [sflag:$0x3], $0x80, s24, s19, $0xb8;
	[tilespmem:$0x1E0C0] =	vst v63  }
0xaf: {  	_ =	swait.ge [sflag:s17], $0x4000  }
0xb0: {  	[sflag:s17] =	ssyncset.done $0x0  }
0xb1: {  	[sflag:s17] =	ssyncadd.s32 $0xFFFFC000  }
0xb2: {  	_ =	swait.ge [sflag:s22], $0x4000  }
0xb3: {  	[sflag:s22] =	ssyncset.done $0x0  }
0xb4: {  	[sflag:s22] =	ssyncadd.s32 $0xFFFFC000  }
0xb5: {  	[spmem:s2] =	stream.indirect.scatter.add.f32 [tilespmem:s21], [sflag:$0x3], $0x80, s26, s19, $0xb8;
	[tilespmem:$0x1E0C0] =	vst v63  }
0xb6: {  	_ =	swait.ge [sflag:s17], $0x4000  }
0xb7: {  	s3 =	sadd.s32 $0x1, s3;
	[sflag:s17] =	ssyncset.done $0x0  }
0xb8: {  	s28 =	sshll.u32 s0, $0x6;
	p0 =	sne.s32 s3, s11;
	[sflag:s17] =	ssyncadd.s32 $0xFFFFC000  }
.Ltmp3:
0xb9: {  	s28 =	sor.u32 $0x1C03, s28;
	[bflag:$0x0] =	sbarrier.arrive $0xFFFF;
	(pc) =	sbr.rel @p0 .LBB2_1-.Ltmp3, $4  }
0xba: {  	[hbm:s10], [sflag:s28] =	dma.local [spmem:s25], $0x2780  }
0xbb: {  	_ =	swait.ge [sflag:s17], $0x2780  }
0xbc: {  	[sflag:s17] =	ssyncset.done $0x0  }
0xbd: {  	[sflag:s17] =	ssyncadd.s32 $0xFFFFD880  }
0xbe: {  	_ =	sfence.sel $0x180000  }
0xbf: {  	[bflag:$0x0] =	sbarrier.arrive $0xFFFF  }
0xc0: {  	p0 =	sne.s32 s0, $0x0;
	_ =	strace $0x9000004D  }
0xc1: {  	s0 =	sadd.s32 @!p0 $0x100000, s1;
	[bflag:$0x2] =	sbarrier.arrive $0xFFFF  }
0xc2: {  	[sflag:s0] =	ssyncadd.tile.s32 @!p0 $0x1;
	_ =	shalt  }
.Lfunc_end2:
_tile_overlayer_lowered:
.L_overlay_start_2:
0xc3: {  	(tag) =	ssettag $0x2  }
0xc4: {  	s0 =	rddreg [dreg:$0x0];
	s2 =	stileid.u32  }
0xc5: {  	s1 =	rddreg [dreg:$0x1];
	p0 =	sne.s32 s2, $0x0  }
0xc6: {  	s3 =	rddreg [dreg:$0x2];
	[bflag:$0x3] =	sbarrier.arrive $0xFFFF;
	s2 =	simm.s32 @!p0 $0x1C03  }
0xc7: {  	[timem:s3], [sflag:s2] =	dma.local @!p0 [hbm:s0], s1  }
0xc8: {  	s0 =	simm.s32 @!p0 $0x3  }
0xc9: {  	_ =	swait.ge @!p0 [sflag:s0], s1  }
0xca: {  	s1 =	ssub.s32 @!p0 $0x0, s1;
	[sflag:s0] =	ssyncset.done @!p0 $0x0  }
0xcb: {  	[sflag:s0] =	ssyncadd.s32 @!p0 s1  }
0xcc: {  	[bflag:$0x3] =	sbarrier.arrive $0xFFFF  }
0xcd: {  	_ =	shalt  }

// kernel: kernel.8.cloned.1.call-start
scs
__scs_entry_jumppad:
0x0: {  	(pc) =	sbr.rel $0x88, $3  }
0x1: {  	(tag) =	ssettag $0x0;
	lr =	simm.s32 $0x1  }
0x2: {  	[smem:$0x3F99] =	sst lr;
	_ =	strace $0xD0000000  }
0x3: {  	_ = 	snop  }
0x4: {  	_ = 	snop  }
0x5: {  	_ = 	snop  }
0x6: {  	_ = 	snop  }
0x7: {  	_ = 	snop  }
__scs_overlays_trampoline_lowered:
0x8: {  	[smem:$0x3FA8] =	sst s0  }
0x9: {  	[smem:$0x3FA9] =	sst s1  }
0xa: {  	[smem:$0x3FAA] =	sst s2  }
0xb: {  	[smem:$0x3FAB] =	sst s3  }
0xc: {  	[smem:$0x3FAC] =	sst s4  }
0xd: {  	[smem:$0x3FAD] =	sst s5  }
0xe: {  	[smem:$0x3FAE] =	sst s6  }
0xf: {  	[smem:$0x3FAF] =	sst s7  }
0x10: {  	[smem:$0x3FB0] =	sst s8  }
0x11: {  	[smem:$0x3FB1] =	sst s9;
	s0 =	simm.s32 @!p0 $0x0  }
0x12: {  	s1 =	sld [smem:$0x3F97];
	s0 =	simm.s32 @p0 $0x1  }
0x13: {  	[smem:$0x3FB2] =	sst s0;
	s0 =	simm.s32 @!p1 $0x0  }
0x14: {  	s2 =	sld [smem:$0x3F96];
	s0 =	simm.s32 @p1 $0x1  }
0x15: {  	[smem:$0x3FB3] =	sst s0;
	s0 =	simm.s32 @!p2 $0x0  }
0x16: {  	s3 =	sld [smem:$0x3FDB];
	s0 =	simm.s32 @p2 $0x1  }
0x17: {  	s4 =	simm.s32 $0x1BF5;
	[smem:$0x3FB5] =	sst s0  }
0x18: {  	s0 =	sld [smem:$0x3F98];
	_ =	swait.ge [sflag:s4], $0x0  }
0x19: {  	s7 =	sld [smem:$0x3F99]  }
0x1a: {  	s8 =	sadd.s32 $0xFFFFE003, lr  }
0x1b: {  	s9 =	sadd.s32 $0xFFFFFEF7, lr;
	s5 =	simm.s32 $0xFFFFFFFF;
	p2 =	slt.u32 s8, $0xFFFFF086  }
0x1c: {  	p1 =	slt.u32 s9, $0xF7A;
	s5 =	simm.s32 @!p2 $0x0  }
0x1d: {  	s5 =	simm.s32 @p1 $0x1;
	p0 =	seq.s32 s7, s2  }
0x1e: {  	s7 =	smul.u32 @!p0 $0xF7A, s2;
	p2 =	seq.s32 @!p0 s5, $0x0  }
0x1f: {  	s9 =	smul.u32 $0xF7A, s1;
	s8 =	simm.s32 @!p0 $0x1BF5;
	p2 =	por !p2, p0  }
0x20: {  	[sflag:s8] =	ssyncset.s32 @!p0 $0xFFFFF086;
	s6 =	sadd.s32 @!p0 s3, s7;
	s7 =	simm.s32 @!p0 $0x108  }
0x21: {  	s3 =	sadd.s32 s3, s9;
	s6 =	sadd.s32 @!p0 $0x88, s6;
	s7 =	simm.s32 @p2 $0x1082  }
0x22: {  	[simem:s7], [sflag:s8] =	dma.local @!p0 [hbm:s6], $0xF7A  }
0x23: {  	s9 =	sor.u32 $0xD0000000, s2;
	s6 =	simm.s32 $0x108;
	_ =	swait.ge @!p0 [sflag:s8], $0x0  }
0x24: {  	s3 =	sadd.s32 $0x88, s3;
	s6 =	simm.s32 @!p1 $0x1082;
	[sflag:s4] =	ssyncset.s32 $0xFFFFF086  }
0x25: {  	[simem:s6], [sflag:s4] =	dma.local [hbm:s3], $0xF7A  }
0x26: {  	[smem:$0x3F99] =	sst s1;
	(tag) =	ssettag s2;
	_ =	strace s9  }
0x27: {  	s1 =	sld [smem:$0x3FA9]  }
0x28: {  	s2 =	sld [smem:$0x3FAA]  }
0x29: {  	s4 =	sld [smem:$0x3FAC]  }
0x2a: {  	p0 =	seq.s32 s5, $0x0;
	s5 =	sld [smem:$0x3FAD]  }
0x2b: {  	s6 =	sld [smem:$0x3FAE]  }
0x2c: {  	s7 =	sld [smem:$0x3FAF]  }
0x2d: {  	s3 =	simm.s32 $0x108;
	s8 =	sld [smem:$0x3FB0]  }
0x2e: {  	s3 =	simm.s32 @!p0 $0x1082;
	s9 =	sld [smem:$0x3FB1]  }
0x2f: {  	lr =	sadd.s32 s0, s3;
	s0 =	sld [smem:$0x3FA8]  }
0x30: {  	s3 =	sld [smem:$0x3FAB]  }
0x31: {  	[smem:$0x3FB4] =	sst s10  }
0x32: {  	s10 =	sld [smem:$0x3FB2];
	_ =	sdelay $0x3  }
0x33: {  	p0 =	seq.s32 s10, $0x1;
	s10 =	sld [smem:$0x3FB4];
	_ =	sdelay $0x3  }
0x34: {  	[smem:$0x3FB4] =	sst s10  }
0x35: {  	s10 =	sld [smem:$0x3FB3];
	_ =	sdelay $0x3  }
0x36: {  	p1 =	seq.s32 s10, $0x1;
	s10 =	sld [smem:$0x3FB4];
	_ =	sdelay $0x3  }
0x37: {  	[smem:$0x3FB4] =	sst s10  }
0x38: {  	s10 =	sld [smem:$0x3FB5]  }
0x39: {  	_ = 	snop;
	(pc) =	sbr.ind lr, $3  }
0x3a: {  	_ = 	snop  }
0x3b: {  	_ = 	snop  }
0x3c: {  	p2 =	seq.s32 s10, $0x1;
	s10 =	sld [smem:$0x3FB4]  }
0x3d: {  	_ =	shalt  }
0x3e: {  	_ =	shalt  }
0x3f: {  	_ =	shalt  }
0x40: {  	_ =	shalt  }
0x41: {  	_ =	shalt  }
0x42: {  	_ =	shalt  }
0x43: {  	_ =	shalt  }
0x44: {  	_ =	shalt  }
0x45: {  	_ =	shalt  }
0x46: {  	_ =	shalt  }
0x47: {  	_ =	shalt  }
0x48: {  	_ =	shalt  }
0x49: {  	_ =	shalt  }
0x4a: {  	_ =	shalt  }
0x4b: {  	_ =	shalt  }
0x4c: {  	_ =	shalt  }
0x4d: {  	_ =	shalt  }
0x4e: {  	_ =	shalt  }
0x4f: {  	_ =	shalt  }
0x50: {  	_ =	shalt  }
0x51: {  	_ =	shalt  }
0x52: {  	_ =	shalt  }
0x53: {  	_ =	shalt  }
0x54: {  	_ =	shalt  }
0x55: {  	_ =	shalt  }
0x56: {  	_ =	shalt  }
0x57: {  	_ =	shalt  }
0x58: {  	_ =	shalt  }
0x59: {  	_ =	shalt  }
0x5a: {  	_ =	shalt  }
0x5b: {  	_ =	shalt  }
0x5c: {  	_ =	shalt  }
0x5d: {  	_ =	shalt  }
0x5e: {  	_ =	shalt  }
0x5f: {  	_ =	shalt  }
0x60: {  	_ =	shalt  }
0x61: {  	_ =	shalt  }
0x62: {  	_ =	shalt  }
0x63: {  	_ =	shalt  }
0x64: {  	_ =	shalt  }
0x65: {  	_ =	shalt  }
0x66: {  	_ =	shalt  }
0x67: {  	_ =	shalt  }
0x68: {  	_ =	shalt  }
0x69: {  	_ =	shalt  }
0x6a: {  	_ =	shalt  }
0x6b: {  	_ =	shalt  }
0x6c: {  	_ =	shalt  }
0x6d: {  	_ =	shalt  }
0x6e: {  	_ =	shalt  }
0x6f: {  	_ =	shalt  }
0x70: {  	_ =	shalt  }
0x71: {  	_ =	shalt  }
0x72: {  	_ =	shalt  }
0x73: {  	_ =	shalt  }
0x74: {  	_ =	shalt  }
0x75: {  	_ =	shalt  }
0x76: {  	_ =	shalt  }
0x77: {  	_ =	shalt  }
0x78: {  	_ =	shalt  }
0x79: {  	_ =	shalt  }
0x7a: {  	_ =	shalt  }
0x7b: {  	_ =	shalt  }
0x7c: {  	_ =	shalt  }
0x7d: {  	_ =	shalt  }
0x7e: {  	_ =	shalt  }
0x7f: {  	_ =	shalt  }
0x80: {  	_ =	shalt  }
0x81: {  	_ =	shalt  }
0x82: {  	_ =	shalt  }
0x83: {  	_ =	shalt  }
0x84: {  	_ =	shalt  }
0x85: {  	_ =	shalt  }
0x86: {  	_ =	shalt  }
0x87: {  	_ =	shalt  }
.Lfunc_end0:
.L_simem_size_0:
called_computation_lowered:
.L_overlay_start_0:
0x88: {  	s2 =	sld [smem:$0x3FD9]  }
0x89: {  	s3 =	sld [smem:$0x3FFE];
	_ =	sdelay $0x1  }
0x8a: {  	s1 =	srdreg.scid  }
0x8b: {  	s0 =	sand.u32 $0x1, s1  }
0x8c: {  	s16 =	sshll.u32 s0, $0xA;
	s2 =	sadd.s32 s3, s2  }
0x8d: {  	s2 =	sadd.s32 s2, s16  }
0x8e: {  	[smem:$0x3FC0] =	sst s2  }
0x8f: {  	_ = 	snop  }
0x90: {  	(tm) =	ssettm $0x1  }
0x91: {  	s17 =	sld [smem:$0x3FFB];
	_ =	sdelay $0x3  }
0x92: {  	_ =	strace s17  }
0x93: {  	s2 =	sld [smem:$0x3FFC];
	_ =	sdelay $0x3  }
0x94: {  	_ =	strace s2  }
0x95: {  	s2 =	sld [smem:$0x3FFD];
	_ =	sdelay $0x3  }
0x96: {  	_ =	strace s2  }
0x97: {  	_ =	strace $0x8FFFFFFF  }
0x98: {  	s18 =	sld [smem:$0x3FDB];
	_ =	sdelay $0x1  }
0x99: {  	s19 =	simm.s32 $_scs_section_size  }
0x9a: {  	s4 =	simm.s32 $_size__tile_overlayer_lowered;
	s5 =	simm.s32 $_tile_overlayer_lowered  }
0x9b: {  	s22 =	simm.s32 $0x1BFF;
	s21 =	sshll.u32 s5, $0x1;
	s2 =	sadd.s32 s19, s18  }
0x9c: {  	s6 =	simm.s32 $0x0;
	s20 =	sshll.u32 s4, $0x1;
	s4 =	sadd.s32 s21, s2  }
0x9d: {  	[timem:s6], [sflag:s22] =	dma.local [hbm:s4], s20  }
0x9e: {  	_ =	swait.ge [sflag:s22], s20  }
0x9f: {  	s3 =	ssub.s32 $0x0, s20;
	[sflag:s22] =	ssyncset.done $0x0  }
0xa0: {  	[sflag:s22] =	ssyncadd.s32 s3;
	_ =	sdelay $0x1  }
0xa1: {  	s23 =	simm.s32 $0x1B8B  }
0xa2: {  	_ =	swait.ge [sflag:s23], $0x1  }
0xa3: {  	[sflag:s23] =	ssyncset.done $0x0  }
0xa4: {  	s25 =	simm.s32 $0x1B8E;
	s24 =	sld [smem:$0x3FFE];
	[sflag:s23] =	ssyncadd.s32 $0xFFFFFFFF  }
0xa5: {  	s26 =	simm.s32 $execute0_lowered;
	[smem:$0x3FD2] =	sst s25  }
0xa6: {  	s4 =	sshll.u32 s26, $0x1;
	_ =	strace $0x80000046;
	[dreg:$0x1] =	wrdreg $0xFFFFFFFF  }
0xa7: {  	s28 =	simm.s32 $_size_execute0_lowered;
	s2 =	sadd.s32 s2, s4;
	[dreg:$0x0] =	wrdreg $0x0  }
0xa8: {  	s4 =	sshll.u32 s28, $0x1;
	[dreg:$0x2] =	wrdreg s2  }
0xa9: {  	[dreg:$0x3] =	wrdreg s4  }
0xaa: {  	[dreg:$0x4] =	wrdreg $0xC0  }
0xab: {  	_ =	task [dreg:s6], $0x5FFFF  }
0xac: {  	[dreg:$0x1] =	wrdreg $0xFFFFFFFF  }
0xad: {  	[dreg:$0x0] =	wrdreg $0x60  }
0xae: {  	[dreg:$0x2] =	wrdreg s24  }
0xaf: {  	[dreg:$0x3] =	wrdreg $0x9  }
0xb0: {  	_ =	task.clear_ibuf [dreg:s6], $0x4FFFF;
	_ =	strace $0x90000046  }
0xb1: {  	s29 =	simm.s32 $0x9;
	_ =	strace $0x80000048  }
0xb2: {  	_ =	swait.ge [sflag:s29], $0x1  }
0xb3: {  	[sflag:s29] =	ssyncadd.s32 $0xFFFFFFFF  }
0xb4: {  	_ =	strace $0x90000048  }
0xb5: {  	_ =	sfence  }
0xb6: {  	s30 =	sld [smem:$0x0];
	_ =	sdelay $0x2  }
0xb7: {  	s31 =	sshll.u32 s1, $0xD;
	s1 =	sshrl.u32 s1, $0x2  }
0xb8: {  	s3 =	sand.u32 $0x4000, s31;
	s1 =	sadd.s32 s1, s30  }
0xb9: {  	s0 =	sor.u32 s3, s0;
	s1 =	sshll.u32 s1, $0x11  }
0xba: {  	s0 =	sor.u32 s1, s0  }
0xbb: {  	s0 =	sadd.s32 $0x8F2B, s0  }
0xbc: {  	[sflag:s0] =	ssyncadd.remote.s32 $0x1  }
0xbd: {  	_ =	sfence.sel $0xFFFF  }
0xbe: {  	[dreg:$0x0] =	wrdreg $0xFFFFFFFF;
	(pc) =	sbr.abs _section_cstart, $3  }
0xbf: {  	[dreg:$0x1] =	wrdreg $0xFFFFFFFF  }
0xc0: {  	_ =	task.clear_ibuf [dreg:s6], $0x2FFFF;
	_ =	strace $0x9FFFFFFF  }
0xc1: {  	(tm) =	ssettm $0x7FFFFFFF  }
tec
execute0_lowered:
.L_overlay_start_1:
0x0: {  	(tag) =	ssettag $0x1  }
0x1: {  	s1 =	srdreg.scid;
	s0 =	stileid.u32  }
0x2: {  	s4 =	rddreg [dreg:$0x0];
	s3 =	sand.u32 $0x1, s1;
	s30 =	sshll.u32 s0, $0x1  }
0x3: {  	s2 =	simm.s32 $0x0;
	s8 =	simm.s32 $0x0;
	s5 =	sor.u32 s3, s30  }
0x4: {  	s1 =	rddreg [dreg:$0x1];
	s3 =	ssub.s32 $0x2, s3;
	s6 =	smul.u32 $0x272, s5  }
0x5: {  	[smem:$0x7FF] =	sst s2;
	s5 =	smul.u32 $0x500, s5;
	s7 =	sshrl.u32 s3, $0x1  }
0x6: {  	_ =	strace $0x80000047;
	s31 =	ssub.s32 s3, s7;
	s7 =	simm.s32 $0x1400  }
0x7: {  	s6 =	sadd.s32 s6, s4;
	s4 =	sadd.s32 s5, s4;
	s5 =	smax.u32 s31, $0x1  }
0x8: {  	v0 =	vimm.f32 $0.0e+00;
	v1 =	vimm.f32 $1.000000000e+00;
	s3 =	sadd.s32 $0x3000, s6;
	s4 =	sadd.s32 $0x8000, s4;
	s6 =	simm.s32 $0x1  }
.LBB2_1:
0x9: {  	[tilespmem:s2], [sflag:$0x1] =	stream.linear.gather [hbm4b:s3+s2], $0x1390, $0x38;
	[tilespmem:$0x3C00] =	vst v63  }
0xa: {  	_ =	swait.ge [sflag:s6], $0x1390  }
0xb: {  	[sflag:s6] =	ssyncset.done $0x0  }
0xc: {  	s9 =	simm.s32 $0x0;
	s10 =	simm.s32 $0x200;
	[sflag:s6] =	ssyncadd.s32 $0xFFFFEC70  }
.LBB2_2:
0xd: {  	p0 =	sne.s32 s10, $0x9E00;
	[tilespmem:s9+$0x1470] =	vst v0  }
0xe: {  	[tilespmem:s9+$0x1400] =	vst v0  }
0xf: {  	[tilespmem:s9+$0x1410] =	vst v0  }
.Ltmp0:
0x10: {  	[tilespmem:s9+$0x1420] =	vst v0;
	(pc) =	sbr.rel @p0 .LBB2_2-.Ltmp0, $4  }
0x11: {  	[tilespmem:s9+$0x1430] =	vst v0  }
0x12: {  	[tilespmem:s9+$0x1440] =	vst v0  }
0x13: {  	[tilespmem:s9+$0x1450] =	vst v0  }
0x14: {  	[tilespmem:s9+$0x1460] =	vst v0;
	s9 =	sshra.s32 s10, $0x2;
	s10 =	sadd.s32 $0x200, s10  }
0x15: {  	[tilespmem:s9+$0x1470] =	vst v0  }
0x16: {  	[tilespmem:s9+$0x1400] =	vst v0  }
0x17: {  	[tilespmem:s9+$0x1410] =	vst v0  }
0x18: {  	[tilespmem:s9+$0x1420] =	vst v0  }
0x19: {  	[tilespmem:s9+$0x1430] =	vst v0  }
0x1a: {  	[tilespmem:s9+$0x1440] =	vst v0  }
0x1b: {  	[tilespmem:s9+$0x1450] =	vst v0  }
0x1c: {  	[tilespmem:s9+$0x1460] =	vst v0;
	s10 =	simm.s32 $0x0;
	s9 =	simm.s32 $0x40  }
.LBB2_4:
0x1d: {  	p0 =	sne.s32 s9, $0x4E00;
	v2 =	vld [tilespmem:s10+$0x0];
	_ =	sdelay $0x3  }
.Ltmp1:
0x1e: {  	(pc) =	sbr.rel @p0 .LBB2_4-.Ltmp1, $2  }
0x1f: {  	_ =	sdelay $0x2  }
0x20: {  	s10 =	sshra.s32 s9, $0x2;
	s9 =	sadd.s32 $0x40, s9;
	[tilespmem:v2+s7+$0x0] =	vst.idx.add.f32.msk $0xffff, v1  }
0x21: {  	v2 =	vld [tilespmem:s10+$0x0];
	_ =	sdelay $0x5  }
0x22: {  	s8 =	sadd.s32 $0x1, s8  }
0x23: {  	p0 =	sne.s32 s8, s5  }
.Ltmp2:
0x24: {  	[tilespmem:v2+s7+$0x0] =	vst.idx.add.f32.msk $0xffff, v1;
	(pc) =	sbr.rel @p0 .LBB2_1-.Ltmp2, $4  }
0x25: {  	[hbm4b:s4+s2] =	stream.linear.scatter [tilespmem:s7], [sflag:$0x1], $0x2800, $0x38;
	[tilespmem:$0x3C00] =	vst v63  }
0x26: {  	_ =	swait.ge [sflag:s6], $0x2800  }
0x27: {  	[sflag:s6] =	ssyncset.done $0x0  }
0x28: {  	[sflag:s6] =	ssyncadd.s32 $0xFFFFD800  }
0x29: {  	_ =	sfence.sel $0x180000  }
0x2a: {  	[bflag:$0x0] =	sbarrier.arrive $0xFFFF  }
0x2b: {  	p0 =	sne.s32 s0, $0x0;
	_ =	strace $0x90000047  }
0x2c: {  	s0 =	sadd.s32 @!p0 $0x100000, s1;
	[bflag:$0x2] =	sbarrier.arrive $0xFFFF  }
0x2d: {  	[sflag:s0] =	ssyncadd.tile.s32 @!p0 $0x1;
	_ =	shalt  }
.Lfunc_end2:
_tile_overlayer_lowered:
.L_overlay_start_2:
0x2e: {  	(tag) =	ssettag $0x2  }
0x2f: {  	s0 =	rddreg [dreg:$0x0];
	s2 =	stileid.u32  }
0x30: {  	s1 =	rddreg [dreg:$0x1];
	p0 =	sne.s32 s2, $0x0  }
0x31: {  	s3 =	rddreg [dreg:$0x2];
	[bflag:$0x3] =	sbarrier.arrive $0xFFFF;
	s2 =	simm.s32 @!p0 $0x1C01  }
0x32: {  	[timem:s3], [sflag:s2] =	dma.local @!p0 [hbm:s0], s1  }
0x33: {  	s0 =	simm.s32 @!p0 $0x1  }
0x34: {  	_ =	swait.ge @!p0 [sflag:s0], s1  }
0x35: {  	s1 =	ssub.s32 @!p0 $0x0, s1;
	[sflag:s0] =	ssyncset.done @!p0 $0x0  }
0x36: {  	[sflag:s0] =	ssyncadd.s32 @!p0 s1  }
0x37: {  	[bflag:$0x3] =	sbarrier.arrive $0xFFFF  }
0x38: {  	_ =	shalt  }

</sc_bundles>
